<compile_context>
chip_gen: v7x
topology: tpu7x:2x2x1
jax: 0.10.2.dev20260603
libtpu: 0.0.44.dev20260713+nightly
codegen_flags: <defaults>
</compile_context>

<pallas_src>
import functools

import jax
import jax.numpy as jnp
from jax import lax
from jax.experimental import pallas as pl
from jax.experimental.pallas import tpu as pltpu
from jax.experimental.pallas import tpu_sc as plsc

_NF = 26
_V = 100000
_D = 32
_B = 4096

_Q = 33280
_SPLIT = ((0, _Q), (_Q, _Q), (2 * _Q, _V - 2 * _Q))

_INFO = plsc.get_sparse_core_info()
_NC = _INFO.num_cores
_NS = _INFO.num_subcores
_NW = _NC * _NS
_CPW = _NF * _D // _NW
_UNROLL = 8


def _make_kernel():
    mesh = plsc.VectorSubcoreMesh(core_axis_name="c", subcore_axis_name="s")

    @functools.partial(
        pl.kernel,
        mesh=mesh,
        out_type=jax.ShapeDtypeStruct((_NF * _D, _B), jnp.float32),
        scratch_types=[
            pltpu.VMEM((_SPLIT[0][1],), jnp.float32),
            pltpu.VMEM((_SPLIT[1][1],), jnp.float32),
            pltpu.VMEM((_SPLIT[2][1],), jnp.float32),
            pltpu.VMEM((_B,), jnp.int32),
            pltpu.VMEM((_B,), jnp.float32),
            pltpu.SemaphoreType.DMA,
            pltpu.SemaphoreType.DMA,
            pltpu.SemaphoreType.DMA,
        ],
        compiler_params=pltpu.CompilerParams(use_tc_tiling_on_sc=True,
                                             needs_layout_passes=False),
    )
    def col_kernel(idx_hbm, tab_hbm, out_hbm, q0, q1, q2, idx_v, row_v,
                   s0, s1, s2):
        bufs = (q0, q1, q2)
        sems = (s0, s1, s2)
        w = lax.axis_index("s") * _NC + lax.axis_index("c")
        c0 = w * _CPW

        for q, (off, ln) in enumerate(_SPLIT):
            pltpu.async_copy(tab_hbm.at[c0 // _D, c0 % _D, pl.ds(off, ln)],
                             bufs[q], sems[q])

        def pair(j, f_prev):
            c = c0 + j
            f = c // _D
            d = c % _D

            @pl.when(f != f_prev)
            def _():
                pltpu.sync_copy(idx_hbm.at[f], idx_v)

            for q, (off, ln) in enumerate(_SPLIT):
                pltpu.make_async_copy(tab_hbm.at[f, d, pl.ds(off, ln)],
                                      bufs[q], sems[q]).wait()
                buf = bufs[q]

                def gat(i, c2, q=q, off=off, ln=ln, buf=buf):
                    for u in range(_UNROLL):
                        sl = pl.ds((i * _UNROLL + u) * 16, 16)
                        ix = idx_v[sl] - off
                        m = lax.bitcast_convert_type(ix, jnp.uint32) < ln
                        g = plsc.load_gather(buf, [ix], mask=m)
                        if q == 0:
                            row_v[sl] = jnp.where(m, g, 0.0)
                        else:
                            row_v[sl] = jnp.where(m, g, row_v[sl])
                    return c2

                lax.fori_loop(0, _B // (16 * _UNROLL), gat, 0)

                @pl.when(j < _CPW - 1)
                def _(q=q, off=off, ln=ln):
                    c1 = c + 1
                    pltpu.async_copy(
                        tab_hbm.at[c1 // _D, c1 % _D, pl.ds(off, ln)],
                        bufs[q], sems[q])

            pltpu.sync_copy(row_v, out_hbm.at[c])
            return f

        lax.fori_loop(0, _CPW, pair, jnp.int32(-1))

    return col_kernel


_KERNEL = _make_kernel()


def kernel(inputs, tables):
    tab_t = tables.transpose(0, 2, 1)
    idx_t = inputs.astype(jnp.int32).T
    out_t = _KERNEL(idx_t, tab_t)
    return out_t.T.reshape(_B, 1, _NF * _D)

# --- scband reference (transcript-rebuilt; emitter-appended) ---
"""Pipeline reference for scband-get-embedding-by-columns-48619029791050 (READ-ONLY COPY).

The authoritative reference and input builder live on the scoring server;
editing this copy changes nothing except your own understanding.
"""

import jax, jax.numpy as jnp
import numpy as np

NUM_FIELDS = 26
VOCAB = 100000
EMBED_DIM = 32
BATCH = 4096


def setup_inputs(seed: int = 0) -> dict:
    key = jax.random.key(seed)
    k_idx, k_tab = jax.random.split(key)
    # Combined input tensor: one column per sparse field, values are row ids into each table.
    inputs = jax.random.randint(k_idx, (BATCH, NUM_FIELDS), 0, VOCAB, dtype=jnp.int32)
    # Stacked per-field embedding tables (embedding_dict equivalent): [NUM_FIELDS, VOCAB, EMBED_DIM]
    tables = jax.random.normal(k_tab, (NUM_FIELDS, VOCAB, EMBED_DIM), dtype=jnp.float32) * 0.01
    return {"inputs": inputs, "tables": tables}


def reference(inputs, tables):
    # Faithful translation of GetEmbeddingByColumns.forward with 26 SparseFeat columns,
    # need_concat=True, concat_dim=-1. Each feature occupies one column [start:end] of `inputs`;
    # the slice keeps a trailing length-1 axis, so each embedding lookup yields [B, 1, D].
    outputs_list = []
    for i in range(NUM_FIELDS):
        sparse_input = inputs[:, i:i + 1].astype(jnp.int32)  # [B, 1]
        emb = jnp.take(tables[i], sparse_input, axis=0)       # [B, 1, D] gather
        outputs_list.append(emb)
    return jnp.concatenate(outputs_list, axis=-1)             # [B, 1, NUM_FIELDS * D]

if __name__ == "__main__":
    import jax
    _d = setup_inputs()
    print(jax.jit(kernel)(*tuple(_d.values())))

</pallas_src>

<mosaic_0001>
#map = affine_map<(d0, d1) -> (0, 0)>
#map1 = affine_map<(d0, d1) -> (0, 0, 0)>
module attributes {stable_mosaic.version = 14 : i64} {
  func.func @col_kernel(%arg0: i32, %arg1: i32, %arg2: memref<26x4096xi32, #tpu.memory_space<hbm>>, %arg3: memref<26x32x100000xf32, #tpu.memory_space<hbm>>, %arg4: memref<832x4096xf32, #tpu.memory_space<hbm>>, %arg5: memref<33280xf32, #tpu.memory_space<vmem>>, %arg6: memref<33280xf32, #tpu.memory_space<vmem>>, %arg7: memref<33440xf32, #tpu.memory_space<vmem>>, %arg8: memref<4096xi32, #tpu.memory_space<vmem>>, %arg9: memref<4096xf32, #tpu.memory_space<vmem>>, %arg10: memref<!tpu.dma_semaphore, #tpu.memory_space<semaphore_mem>>, %arg11: memref<!tpu.dma_semaphore, #tpu.memory_space<semaphore_mem>>, %arg12: memref<!tpu.dma_semaphore, #tpu.memory_space<semaphore_mem>>) attributes {dimension_semantics = [#tpu.dimension_semantics<core_parallel>, #tpu.dimension_semantics<subcore_parallel>], iteration_bounds = array<i64: 2, 16>, scalar_prefetch = 0 : i64, scratch_operands = 8 : i64, tpu.core_type = #tpu.core_type<sc_vector_subcore>, window_params = [{transform_indices = #map}, {transform_indices = #map1}, {transform_indices = #map}]} {
    %mul3A = arith.constant 2 : i32
    %mul3A_0 = arith.muli %arg1, %mul3A : i32
    %add3A = arith.addi %mul3A_0, %arg0 : i32
    %mul3A_1 = arith.constant 26 : i32
    %mul3A_2 = arith.muli %add3A, %mul3A_1 : i32
    %jit3A = arith.constant 32 : i32
    %div3A = arith.divsi %mul3A_2, %jit3A : i32
    %sign3A = arith.constant 0 : i32
    %sign3A_3 = arith.cmpi sgt, %mul3A_2, %sign3A : i32
    %sign3A_4 = arith.extui %sign3A_3 : i1 to i32
    %sign3A_5 = arith.constant 0 : i32
    %sign3A_6 = arith.cmpi slt, %mul3A_2, %sign3A_5 : i32
    %sign3A_7 = arith.extui %sign3A_6 : i1 to i32
    %sign3A_8 = arith.subi %sign3A_4, %sign3A_7 : i32
    %sign3A_9 = arith.constant 0 : i32
    %sign3A_10 = arith.cmpi sgt, %jit3A, %sign3A_9 : i32
    %sign3A_11 = arith.extui %sign3A_10 : i1 to i32
    %sign3A_12 = arith.constant 0 : i32
    %sign3A_13 = arith.cmpi slt, %jit3A, %sign3A_12 : i32
    %sign3A_14 = arith.extui %sign3A_13 : i1 to i32
    %sign3A_15 = arith.subi %sign3A_11, %sign3A_14 : i32
    %ne3A = arith.cmpi ne, %sign3A_8, %sign3A_15 : i32
    %rem3A = arith.remsi %mul3A_2, %jit3A : i32
    %ne3A_16 = arith.constant 0 : i32
    %ne3A_17 = arith.cmpi ne, %rem3A, %ne3A_16 : i32
    %and3A = arith.andi %ne3A, %ne3A_17 : i1
    %sub3A = arith.constant 1 : i32
    %sub3A_18 = arith.subi %div3A, %sub3A : i32
    %select_n3A = arith.select %and3A, %sub3A_18, %div3A : i32
    %jit3A_19 = arith.constant 32 : i32
    %eq3A = arith.constant 0 : i32
    %eq3A_20 = arith.cmpi eq, %jit3A_19, %eq3A : i32
    %jit3A_21 = arith.constant 1 : i32
    %select_n3A_22 = arith.select %eq3A_20, %jit3A_21, %jit3A_19 : i32
    %rem3A_23 = arith.remsi %mul3A_2, %select_n3A_22 : i32
    %ne3A_24 = arith.constant 0 : i32
    %ne3A_25 = arith.cmpi ne, %rem3A_23, %ne3A_24 : i32
    %lt3A = arith.constant 0 : i32
    %lt3A_26 = arith.cmpi slt, %rem3A_23, %lt3A : i32
    %lt3A_27 = arith.constant 0 : i32
    %lt3A_28 = arith.cmpi slt, %select_n3A_22, %lt3A_27 : i32
    %ne3A_29 = arith.xori %lt3A_26, %lt3A_28 : i1
    %and3A_30 = arith.andi %ne3A_29, %ne3A_25 : i1
    %add3A_31 = arith.addi %rem3A_23, %select_n3A_22 : i32
    %select_n3A_32 = arith.select %and3A_30, %add3A_31, %rem3A_23 : i32
    %dma_start3A = arith.constant 0 : i32
    %dma_start3A_33 = tpu.memref_slice %arg3[%select_n3A, %select_n3A_32, %dma_start3A] : memref<26x32x100000xf32, #tpu.memory_space<hbm>> -> memref<1x1x33280xf32, #tpu.memory_space<hbm>>
    %dma_start3A_34 = tpu.memref_squeeze %dma_start3A_33 : memref<1x1x33280xf32, #tpu.memory_space<hbm>> -> memref<33280xf32, #tpu.memory_space<hbm>>
    %dma_start3A_35 = arith.constant 0 : i32
    %dma_start3A_36 = tpu.memref_slice %arg3[%select_n3A, %select_n3A_32, %dma_start3A_35] : memref<26x32x100000xf32, #tpu.memory_space<hbm>> -> memref<1x1x33280xf32, #tpu.memory_space<hbm>>
    %dma_start3A_37 = tpu.memref_squeeze %dma_start3A_36 : memref<1x1x33280xf32, #tpu.memory_space<hbm>> -> memref<33280xf32, #tpu.memory_space<hbm>>
    tpu.enqueue_dma source(%dma_start3A_37 : memref<33280xf32, #tpu.memory_space<hbm>>) target(%arg5 : memref<33280xf32, #tpu.memory_space<vmem>>) target_semaphore(%arg10 : memref<!tpu.dma_semaphore, #tpu.memory_space<semaphore_mem>>)
    %jit3A_38 = arith.constant 32 : i32
    %div3A_39 = arith.divsi %mul3A_2, %jit3A_38 : i32
    %sign3A_40 = arith.constant 0 : i32
    %sign3A_41 = arith.cmpi sgt, %mul3A_2, %sign3A_40 : i32
    %sign3A_42 = arith.extui %sign3A_41 : i1 to i32
    %sign3A_43 = arith.constant 0 : i32
    %sign3A_44 = arith.cmpi slt, %mul3A_2, %sign3A_43 : i32
    %sign3A_45 = arith.extui %sign3A_44 : i1 to i32
    %sign3A_46 = arith.subi %sign3A_42, %sign3A_45 : i32
    %sign3A_47 = arith.constant 0 : i32
    %sign3A_48 = arith.cmpi sgt, %jit3A_38, %sign3A_47 : i32
    %sign3A_49 = arith.extui %sign3A_48 : i1 to i32
    %sign3A_50 = arith.constant 0 : i32
    %sign3A_51 = arith.cmpi slt, %jit3A_38, %sign3A_50 : i32
    %sign3A_52 = arith.extui %sign3A_51 : i1 to i32
    %sign3A_53 = arith.subi %sign3A_49, %sign3A_52 : i32
    %ne3A_54 = arith.cmpi ne, %sign3A_46, %sign3A_53 : i32
    %rem3A_55 = arith.remsi %mul3A_2, %jit3A_38 : i32
    %ne3A_56 = arith.constant 0 : i32
    %ne3A_57 = arith.cmpi ne, %rem3A_55, %ne3A_56 : i32
    %and3A_58 = arith.andi %ne3A_54, %ne3A_57 : i1
    %sub3A_59 = arith.constant 1 : i32
    %sub3A_60 = arith.subi %div3A_39, %sub3A_59 : i32
    %select_n3A_61 = arith.select %and3A_58, %sub3A_60, %div3A_39 : i32
    %jit3A_62 = arith.constant 32 : i32
    %eq3A_63 = arith.constant 0 : i32
    %eq3A_64 = arith.cmpi eq, %jit3A_62, %eq3A_63 : i32
    %jit3A_65 = arith.constant 1 : i32
    %select_n3A_66 = arith.select %eq3A_64, %jit3A_65, %jit3A_62 : i32
    %rem3A_67 = arith.remsi %mul3A_2, %select_n3A_66 : i32
    %ne3A_68 = arith.constant 0 : i32
    %ne3A_69 = arith.cmpi ne, %rem3A_67, %ne3A_68 : i32
    %lt3A_70 = arith.constant 0 : i32
    %lt3A_71 = arith.cmpi slt, %rem3A_67, %lt3A_70 : i32
    %lt3A_72 = arith.constant 0 : i32
    %lt3A_73 = arith.cmpi slt, %select_n3A_66, %lt3A_72 : i32
    %ne3A_74 = arith.xori %lt3A_71, %lt3A_73 : i1
    %and3A_75 = arith.andi %ne3A_74, %ne3A_69 : i1
    %add3A_76 = arith.addi %rem3A_67, %select_n3A_66 : i32
    %select_n3A_77 = arith.select %and3A_75, %add3A_76, %rem3A_67 : i32
    %dma_start3A_78 = arith.constant 33280 : i32
    %dma_start3A_79 = tpu.memref_slice %arg3[%select_n3A_61, %select_n3A_77, %dma_start3A_78] : memref<26x32x100000xf32, #tpu.memory_space<hbm>> -> memref<1x1x33280xf32, #tpu.memory_space<hbm>>
    %dma_start3A_80 = tpu.memref_squeeze %dma_start3A_79 : memref<1x1x33280xf32, #tpu.memory_space<hbm>> -> memref<33280xf32, #tpu.memory_space<hbm>>
    %dma_start3A_81 = arith.constant 33280 : i32
    %dma_start3A_82 = tpu.memref_slice %arg3[%select_n3A_61, %select_n3A_77, %dma_start3A_81] : memref<26x32x100000xf32, #tpu.memory_space<hbm>> -> memref<1x1x33280xf32, #tpu.memory_space<hbm>>
    %dma_start3A_83 = tpu.memref_squeeze %dma_start3A_82 : memref<1x1x33280xf32, #tpu.memory_space<hbm>> -> memref<33280xf32, #tpu.memory_space<hbm>>
    tpu.enqueue_dma source(%dma_start3A_83 : memref<33280xf32, #tpu.memory_space<hbm>>) target(%arg6 : memref<33280xf32, #tpu.memory_space<vmem>>) target_semaphore(%arg11 : memref<!tpu.dma_semaphore, #tpu.memory_space<semaphore_mem>>)
    %jit3A_84 = arith.constant 32 : i32
    %div3A_85 = arith.divsi %mul3A_2, %jit3A_84 : i32
    %sign3A_86 = arith.constant 0 : i32
    %sign3A_87 = arith.cmpi sgt, %mul3A_2, %sign3A_86 : i32
    %sign3A_88 = arith.extui %sign3A_87 : i1 to i32
    %sign3A_89 = arith.constant 0 : i32
    %sign3A_90 = arith.cmpi slt, %mul3A_2, %sign3A_89 : i32
    %sign3A_91 = arith.extui %sign3A_90 : i1 to i32
    %sign3A_92 = arith.subi %sign3A_88, %sign3A_91 : i32
    %sign3A_93 = arith.constant 0 : i32
    %sign3A_94 = arith.cmpi sgt, %jit3A_84, %sign3A_93 : i32
    %sign3A_95 = arith.extui %sign3A_94 : i1 to i32
    %sign3A_96 = arith.constant 0 : i32
    %sign3A_97 = arith.cmpi slt, %jit3A_84, %sign3A_96 : i32
    %sign3A_98 = arith.extui %sign3A_97 : i1 to i32
    %sign3A_99 = arith.subi %sign3A_95, %sign3A_98 : i32
    %ne3A_100 = arith.cmpi ne, %sign3A_92, %sign3A_99 : i32
    %rem3A_101 = arith.remsi %mul3A_2, %jit3A_84 : i32
    %ne3A_102 = arith.constant 0 : i32
    %ne3A_103 = arith.cmpi ne, %rem3A_101, %ne3A_102 : i32
    %and3A_104 = arith.andi %ne3A_100, %ne3A_103 : i1
    %sub3A_105 = arith.constant 1 : i32
    %sub3A_106 = arith.subi %div3A_85, %sub3A_105 : i32
    %select_n3A_107 = arith.select %and3A_104, %sub3A_106, %div3A_85 : i32
    %jit3A_108 = arith.constant 32 : i32
    %eq3A_109 = arith.constant 0 : i32
    %eq3A_110 = arith.cmpi eq, %jit3A_108, %eq3A_109 : i32
    %jit3A_111 = arith.constant 1 : i32
    %select_n3A_112 = arith.select %eq3A_110, %jit3A_111, %jit3A_108 : i32
    %rem3A_113 = arith.remsi %mul3A_2, %select_n3A_112 : i32
    %ne3A_114 = arith.constant 0 : i32
    %ne3A_115 = arith.cmpi ne, %rem3A_113, %ne3A_114 : i32
    %lt3A_116 = arith.constant 0 : i32
    %lt3A_117 = arith.cmpi slt, %rem3A_113, %lt3A_116 : i32
    %lt3A_118 = arith.constant 0 : i32
    %lt3A_119 = arith.cmpi slt, %select_n3A_112, %lt3A_118 : i32
    %ne3A_120 = arith.xori %lt3A_117, %lt3A_119 : i1
    %and3A_121 = arith.andi %ne3A_120, %ne3A_115 : i1
    %add3A_122 = arith.addi %rem3A_113, %select_n3A_112 : i32
    %select_n3A_123 = arith.select %and3A_121, %add3A_122, %rem3A_113 : i32
    %dma_start3A_124 = arith.constant 66560 : i32
    %dma_start3A_125 = tpu.memref_slice %arg3[%select_n3A_107, %select_n3A_123, %dma_start3A_124] : memref<26x32x100000xf32, #tpu.memory_space<hbm>> -> memref<1x1x33440xf32, #tpu.memory_space<hbm>>
    %dma_start3A_126 = tpu.memref_squeeze %dma_start3A_125 : memref<1x1x33440xf32, #tpu.memory_space<hbm>> -> memref<33440xf32, #tpu.memory_space<hbm>>
    %dma_start3A_127 = arith.constant 66560 : i32
    %dma_start3A_128 = tpu.memref_slice %arg3[%select_n3A_107, %select_n3A_123, %dma_start3A_127] : memref<26x32x100000xf32, #tpu.memory_space<hbm>> -> memref<1x1x33440xf32, #tpu.memory_space<hbm>>
    %dma_start3A_129 = tpu.memref_squeeze %dma_start3A_128 : memref<1x1x33440xf32, #tpu.memory_space<hbm>> -> memref<33440xf32, #tpu.memory_space<hbm>>
    tpu.enqueue_dma source(%dma_start3A_129 : memref<33440xf32, #tpu.memory_space<hbm>>) target(%arg7 : memref<33440xf32, #tpu.memory_space<vmem>>) target_semaphore(%arg12 : memref<!tpu.dma_semaphore, #tpu.memory_space<semaphore_mem>>)
    %scan3A = arith.constant -1 : i32
    %scan3A_130 = arith.constant 0 : i32
    %scan3A_131 = arith.constant 26 : i32
    %scan3A_132 = arith.addi %scan3A_130, %scan3A_131 : i32
    %scan3A_133 = arith.constant 1 : i32
    %scan3A_134 = scf.for %scan3A_136 = %scan3A_130 to %scan3A_132 step %scan3A_133 iter_args(%scan3A_137 = %scan3A) -> (i32)  : i32 {
      %add3A_138 = arith.addi %mul3A_2, %scan3A_136 : i32
      %jit3A_139 = arith.constant 32 : i32
      %div3A_140 = arith.divsi %add3A_138, %jit3A_139 : i32
      %sign3A_141 = arith.constant 0 : i32
      %sign3A_142 = arith.cmpi sgt, %add3A_138, %sign3A_141 : i32
      %sign3A_143 = arith.extui %sign3A_142 : i1 to i32
      %sign3A_144 = arith.constant 0 : i32
      %sign3A_145 = arith.cmpi slt, %add3A_138, %sign3A_144 : i32
      %sign3A_146 = arith.extui %sign3A_145 : i1 to i32
      %sign3A_147 = arith.subi %sign3A_143, %sign3A_146 : i32
      %sign3A_148 = arith.constant 0 : i32
      %sign3A_149 = arith.cmpi sgt, %jit3A_139, %sign3A_148 : i32
      %sign3A_150 = arith.extui %sign3A_149 : i1 to i32
      %sign3A_151 = arith.constant 0 : i32
      %sign3A_152 = arith.cmpi slt, %jit3A_139, %sign3A_151 : i32
      %sign3A_153 = arith.extui %sign3A_152 : i1 to i32
      %sign3A_154 = arith.subi %sign3A_150, %sign3A_153 : i32
      %ne3A_155 = arith.cmpi ne, %sign3A_147, %sign3A_154 : i32
      %rem3A_156 = arith.remsi %add3A_138, %jit3A_139 : i32
      %ne3A_157 = arith.constant 0 : i32
      %ne3A_158 = arith.cmpi ne, %rem3A_156, %ne3A_157 : i32
      %and3A_159 = arith.andi %ne3A_155, %ne3A_158 : i1
      %sub3A_160 = arith.constant 1 : i32
      %sub3A_161 = arith.subi %div3A_140, %sub3A_160 : i32
      %select_n3A_162 = arith.select %and3A_159, %sub3A_161, %div3A_140 : i32
      %jit3A_163 = arith.constant 32 : i32
      %eq3A_164 = arith.constant 0 : i32
      %eq3A_165 = arith.cmpi eq, %jit3A_163, %eq3A_164 : i32
      %jit3A_166 = arith.constant 1 : i32
      %select_n3A_167 = arith.select %eq3A_165, %jit3A_166, %jit3A_163 : i32
      %rem3A_168 = arith.remsi %add3A_138, %select_n3A_167 : i32
      %ne3A_169 = arith.constant 0 : i32
      %ne3A_170 = arith.cmpi ne, %rem3A_168, %ne3A_169 : i32
      %lt3A_171 = arith.constant 0 : i32
      %lt3A_172 = arith.cmpi slt, %rem3A_168, %lt3A_171 : i32
      %lt3A_173 = arith.constant 0 : i32
      %lt3A_174 = arith.cmpi slt, %select_n3A_167, %lt3A_173 : i32
      %ne3A_175 = arith.xori %lt3A_172, %lt3A_174 : i1
      %and3A_176 = arith.andi %ne3A_175, %ne3A_170 : i1
      %add3A_177 = arith.addi %rem3A_168, %select_n3A_167 : i32
      %select_n3A_178 = arith.select %and3A_176, %add3A_177, %rem3A_168 : i32
      %ne3A_179 = arith.cmpi ne, %select_n3A_162, %scan3A_137 : i32
      %convert_element_type3A = arith.extui %ne3A_179 : i1 to i32
      %cond3A = arith.constant 0 : i32
      %cond3A_180 = arith.cmpi ne, %convert_element_type3A, %cond3A : i32
      scf.if %cond3A_180 {
        "tpu.region"() ({
          %run_scoped3A = tpu.sem_alloc : memref<!tpu.dma_semaphore, #tpu.memory_space<semaphore_mem>>
          %dma_start3A_231 = arith.constant 0 : i32
          %dma_start3A_232 = tpu.memref_slice %arg2[%select_n3A_162, %dma_start3A_231] : memref<26x4096xi32, #tpu.memory_space<hbm>> -> memref<1x4096xi32, #tpu.memory_space<hbm>>
          %dma_start3A_233 = tpu.memref_squeeze %dma_start3A_232 : memref<1x4096xi32, #tpu.memory_space<hbm>> -> memref<4096xi32, #tpu.memory_space<hbm>>
          %dma_start3A_234 = arith.constant 0 : i32
          %dma_start3A_235 = tpu.memref_slice %arg2[%select_n3A_162, %dma_start3A_234] : memref<26x4096xi32, #tpu.memory_space<hbm>> -> memref<1x4096xi32, #tpu.memory_space<hbm>>
          %dma_start3A_236 = tpu.memref_squeeze %dma_start3A_235 : memref<1x4096xi32, #tpu.memory_space<hbm>> -> memref<4096xi32, #tpu.memory_space<hbm>>
          tpu.enqueue_dma source(%dma_start3A_236 : memref<4096xi32, #tpu.memory_space<hbm>>) target(%arg8 : memref<4096xi32, #tpu.memory_space<vmem>>) target_semaphore(%run_scoped3A : memref<!tpu.dma_semaphore, #tpu.memory_space<semaphore_mem>>)
          %dma_wait3A_237 = arith.constant 0 : i32
          %dma_wait3A_238 = tpu.memref_slice %arg2[%select_n3A_162, %dma_wait3A_237] : memref<26x4096xi32, #tpu.memory_space<hbm>> -> memref<1x4096xi32, #tpu.memory_space<hbm>>
          %dma_wait3A_239 = tpu.memref_squeeze %dma_wait3A_238 : memref<1x4096xi32, #tpu.memory_space<hbm>> -> memref<4096xi32, #tpu.memory_space<hbm>>
          %dma_wait3A_240 = arith.constant 0 : i32
          %dma_wait3A_241 = tpu.memref_slice %arg2[%select_n3A_162, %dma_wait3A_240] : memref<26x4096xi32, #tpu.memory_space<hbm>> -> memref<1x4096xi32, #tpu.memory_space<hbm>>
          %dma_wait3A_242 = tpu.memref_squeeze %dma_wait3A_241 : memref<1x4096xi32, #tpu.memory_space<hbm>> -> memref<4096xi32, #tpu.memory_space<hbm>>
          tpu.wait_dma2 semaphore(%run_scoped3A : memref<!tpu.dma_semaphore, #tpu.memory_space<semaphore_mem>>) src(%dma_wait3A_242 : memref<4096xi32, #tpu.memory_space<hbm>>) dst(%arg8 : memref<4096xi32, #tpu.memory_space<vmem>>)
          tpu.yield
        }) : () -> ()
      } else {
      }
      %dma_wait3A = arith.constant 0 : i32
      %dma_wait3A_181 = tpu.memref_slice %arg3[%select_n3A_162, %select_n3A_178, %dma_wait3A] : memref<26x32x100000xf32, #tpu.memory_space<hbm>> -> memref<1x1x33280xf32, #tpu.memory_space<hbm>>
      %dma_wait3A_182 = tpu.memref_squeeze %dma_wait3A_181 : memref<1x1x33280xf32, #tpu.memory_space<hbm>> -> memref<33280xf32, #tpu.memory_space<hbm>>
      %dma_wait3A_183 = arith.constant 0 : i32
      %dma_wait3A_184 = tpu.memref_slice %arg3[%select_n3A_162, %select_n3A_178, %dma_wait3A_183] : memref<26x32x100000xf32, #tpu.memory_space<hbm>> -> memref<1x1x33280xf32, #tpu.memory_space<hbm>>
      %dma_wait3A_185 = tpu.memref_squeeze %dma_wait3A_184 : memref<1x1x33280xf32, #tpu.memory_space<hbm>> -> memref<33280xf32, #tpu.memory_space<hbm>>
      tpu.wait_dma2 semaphore(%arg10 : memref<!tpu.dma_semaphore, #tpu.memory_space<semaphore_mem>>) src(%dma_wait3A_185 : memref<33280xf32, #tpu.memory_space<hbm>>) dst(%arg5 : memref<33280xf32, #tpu.memory_space<vmem>>)
      %scan3A_186 = arith.constant 0 : i32
      %scan3A_187 = arith.constant 0 : i32
      %scan3A_188 = arith.constant 32 : i32
      %scan3A_189 = arith.addi %scan3A_187, %scan3A_188 : i32
      %scan3A_190 = arith.constant 1 : i32
      scf.for %scan3A_231 = %scan3A_187 to %scan3A_189 step %scan3A_190  : i32 {
        %mul3A_232 = arith.constant 8 : i32
        %mul3A_233 = arith.muli %scan3A_231, %mul3A_232 : i32
        %add3A_234 = arith.constant 0 : i32
        %add3A_235 = arith.addi %mul3A_233, %add3A_234 : i32
        %mul3A_236 = arith.constant 16 : i32
        %mul3A_237 = arith.muli %add3A_235, %mul3A_236 : i32
        %get3A = arith.index_cast %mul3A_237 : i32 to index
        %get3A_238 = tpu.vector_load %arg8[%get3A] {strides = array<i32>} : memref<4096xi32, #tpu.memory_space<vmem>>, vector<16xi32>,
        %sub3A_239 = arith.constant 0 : i32
        %sub3A_240 = vector.broadcast %sub3A_239 : i32 to vector<16xi32>
        %sub3A_241 = arith.subi %get3A_238, %sub3A_240 : vector<16xi32>
        %bitcast_convert_type3A = tpu.bitcast %sub3A_241 : vector<16xi32> -> vector<16xi32>
        %lt3A_242 = arith.constant 33280 : i32
        %lt3A_243 = vector.broadcast %lt3A_242 : i32 to vector<16xi32>
        %lt3A_244 = arith.cmpi ult, %bitcast_convert_type3A, %lt3A_243 : vector<16xi32>
        %gather3A = tpu.vector_load_idx %arg5[%sub3A_241] masked %lt3A_244 : memref<33280xf32, #tpu.memory_space<vmem>>[vector<16xi32>], vector<16xf32>, vector<16xi1>
        %jit3A_245 = arith.constant 0.000000e+00 : f32
        %broadcast_in_dim3A = vector.broadcast %jit3A_245 : f32 to vector<16xf32>
        %select_n3A_246 = arith.select %lt3A_244, %gather3A, %broadcast_in_dim3A : vector<16xi1>, vector<16xf32>
        %swap3A = arith.index_cast %mul3A_237 : i32 to index
        %swap3A_247 = tpu.vector_load %arg9[%swap3A] {strides = array<i32>} : memref<4096xf32, #tpu.memory_space<vmem>>, vector<16xf32>,
        tpu.vector_store %arg9[%swap3A], %select_n3A_246 {strides = array<i32>} : memref<4096xf32, #tpu.memory_space<vmem>>, vector<16xf32>,
        %mul3A_248 = arith.constant 8 : i32
        %mul3A_249 = arith.muli %scan3A_231, %mul3A_248 : i32
        %add3A_250 = arith.constant 1 : i32
        %add3A_251 = arith.addi %mul3A_249, %add3A_250 : i32
        %mul3A_252 = arith.constant 16 : i32
        %mul3A_253 = arith.muli %add3A_251, %mul3A_252 : i32
        %get3A_254 = arith.index_cast %mul3A_253 : i32 to index
        %get3A_255 = tpu.vector_load %arg8[%get3A_254] {strides = array<i32>} : memref<4096xi32, #tpu.memory_space<vmem>>, vector<16xi32>,
        %sub3A_256 = arith.constant 0 : i32
        %sub3A_257 = vector.broadcast %sub3A_256 : i32 to vector<16xi32>
        %sub3A_258 = arith.subi %get3A_255, %sub3A_257 : vector<16xi32>
        %bitcast_convert_type3A_259 = tpu.bitcast %sub3A_258 : vector<16xi32> -> vector<16xi32>
        %lt3A_260 = arith.constant 33280 : i32
        %lt3A_261 = vector.broadcast %lt3A_260 : i32 to vector<16xi32>
        %lt3A_262 = arith.cmpi ult, %bitcast_convert_type3A_259, %lt3A_261 : vector<16xi32>
        %gather3A_263 = tpu.vector_load_idx %arg5[%sub3A_258] masked %lt3A_262 : memref<33280xf32, #tpu.memory_space<vmem>>[vector<16xi32>], vector<16xf32>, vector<16xi1>
        %jit3A_264 = arith.constant 0.000000e+00 : f32
        %broadcast_in_dim3A_265 = vector.broadcast %jit3A_264 : f32 to vector<16xf32>
        %select_n3A_266 = arith.select %lt3A_262, %gather3A_263, %broadcast_in_dim3A_265 : vector<16xi1>, vector<16xf32>
        %swap3A_267 = arith.index_cast %mul3A_253 : i32 to index
        %swap3A_268 = tpu.vector_load %arg9[%swap3A_267] {strides = array<i32>} : memref<4096xf32, #tpu.memory_space<vmem>>, vector<16xf32>,
        tpu.vector_store %arg9[%swap3A_267], %select_n3A_266 {strides = array<i32>} : memref<4096xf32, #tpu.memory_space<vmem>>, vector<16xf32>,
        %mul3A_269 = arith.constant 8 : i32
        %mul3A_270 = arith.muli %scan3A_231, %mul3A_269 : i32
        %add3A_271 = arith.constant 2 : i32
        %add3A_272 = arith.addi %mul3A_270, %add3A_271 : i32
        %mul3A_273 = arith.constant 16 : i32
        %mul3A_274 = arith.muli %add3A_272, %mul3A_273 : i32
        %get3A_275 = arith.index_cast %mul3A_274 : i32 to index
        %get3A_276 = tpu.vector_load %arg8[%get3A_275] {strides = array<i32>} : memref<4096xi32, #tpu.memory_space<vmem>>, vector<16xi32>,
        %sub3A_277 = arith.constant 0 : i32
        %sub3A_278 = vector.broadcast %sub3A_277 : i32 to vector<16xi32>
        %sub3A_279 = arith.subi %get3A_276, %sub3A_278 : vector<16xi32>
        %bitcast_convert_type3A_280 = tpu.bitcast %sub3A_279 : vector<16xi32> -> vector<16xi32>
        %lt3A_281 = arith.constant 33280 : i32
        %lt3A_282 = vector.broadcast %lt3A_281 : i32 to vector<16xi32>
        %lt3A_283 = arith.cmpi ult, %bitcast_convert_type3A_280, %lt3A_282 : vector<16xi32>
        %gather3A_284 = tpu.vector_load_idx %arg5[%sub3A_279] masked %lt3A_283 : memref<33280xf32, #tpu.memory_space<vmem>>[vector<16xi32>], vector<16xf32>, vector<16xi1>
        %jit3A_285 = arith.constant 0.000000e+00 : f32
        %broadcast_in_dim3A_286 = vector.broadcast %jit3A_285 : f32 to vector<16xf32>
        %select_n3A_287 = arith.select %lt3A_283, %gather3A_284, %broadcast_in_dim3A_286 : vector<16xi1>, vector<16xf32>
        %swap3A_288 = arith.index_cast %mul3A_274 : i32 to index
        %swap3A_289 = tpu.vector_load %arg9[%swap3A_288] {strides = array<i32>} : memref<4096xf32, #tpu.memory_space<vmem>>, vector<16xf32>,
        tpu.vector_store %arg9[%swap3A_288], %select_n3A_287 {strides = array<i32>} : memref<4096xf32, #tpu.memory_space<vmem>>, vector<16xf32>,
        %mul3A_290 = arith.constant 8 : i32
        %mul3A_291 = arith.muli %scan3A_231, %mul3A_290 : i32
        %add3A_292 = arith.constant 3 : i32
        %add3A_293 = arith.addi %mul3A_291, %add3A_292 : i32
        %mul3A_294 = arith.constant 16 : i32
        %mul3A_295 = arith.muli %add3A_293, %mul3A_294 : i32
        %get3A_296 = arith.index_cast %mul3A_295 : i32 to index
        %get3A_297 = tpu.vector_load %arg8[%get3A_296] {strides = array<i32>} : memref<4096xi32, #tpu.memory_space<vmem>>, vector<16xi32>,
        %sub3A_298 = arith.constant 0 : i32
        %sub3A_299 = vector.broadcast %sub3A_298 : i32 to vector<16xi32>
        %sub3A_300 = arith.subi %get3A_297, %sub3A_299 : vector<16xi32>
        %bitcast_convert_type3A_301 = tpu.bitcast %sub3A_300 : vector<16xi32> -> vector<16xi32>
        %lt3A_302 = arith.constant 33280 : i32
        %lt3A_303 = vector.broadcast %lt3A_302 : i32 to vector<16xi32>
        %lt3A_304 = arith.cmpi ult, %bitcast_convert_type3A_301, %lt3A_303 : vector<16xi32>
        %gather3A_305 = tpu.vector_load_idx %arg5[%sub3A_300] masked %lt3A_304 : memref<33280xf32, #tpu.memory_space<vmem>>[vector<16xi32>], vector<16xf32>, vector<16xi1>
        %jit3A_306 = arith.constant 0.000000e+00 : f32
        %broadcast_in_dim3A_307 = vector.broadcast %jit3A_306 : f32 to vector<16xf32>
        %select_n3A_308 = arith.select %lt3A_304, %gather3A_305, %broadcast_in_dim3A_307 : vector<16xi1>, vector<16xf32>
        %swap3A_309 = arith.index_cast %mul3A_295 : i32 to index
        %swap3A_310 = tpu.vector_load %arg9[%swap3A_309] {strides = array<i32>} : memref<4096xf32, #tpu.memory_space<vmem>>, vector<16xf32>,
        tpu.vector_store %arg9[%swap3A_309], %select_n3A_308 {strides = array<i32>} : memref<4096xf32, #tpu.memory_space<vmem>>, vector<16xf32>,
        %mul3A_311 = arith.constant 8 : i32
        %mul3A_312 = arith.muli %scan3A_231, %mul3A_311 : i32
        %add3A_313 = arith.constant 4 : i32
        %add3A_314 = arith.addi %mul3A_312, %add3A_313 : i32
        %mul3A_315 = arith.constant 16 : i32
        %mul3A_316 = arith.muli %add3A_314, %mul3A_315 : i32
        %get3A_317 = arith.index_cast %mul3A_316 : i32 to index
        %get3A_318 = tpu.vector_load %arg8[%get3A_317] {strides = array<i32>} : memref<4096xi32, #tpu.memory_space<vmem>>, vector<16xi32>,
        %sub3A_319 = arith.constant 0 : i32
        %sub3A_320 = vector.broadcast %sub3A_319 : i32 to vector<16xi32>
        %sub3A_321 = arith.subi %get3A_318, %sub3A_320 : vector<16xi32>
        %bitcast_convert_type3A_322 = tpu.bitcast %sub3A_321 : vector<16xi32> -> vector<16xi32>
        %lt3A_323 = arith.constant 33280 : i32
        %lt3A_324 = vector.broadcast %lt3A_323 : i32 to vector<16xi32>
        %lt3A_325 = arith.cmpi ult, %bitcast_convert_type3A_322, %lt3A_324 : vector<16xi32>
        %gather3A_326 = tpu.vector_load_idx %arg5[%sub3A_321] masked %lt3A_325 : memref<33280xf32, #tpu.memory_space<vmem>>[vector<16xi32>], vector<16xf32>, vector<16xi1>
        %jit3A_327 = arith.constant 0.000000e+00 : f32
        %broadcast_in_dim3A_328 = vector.broadcast %jit3A_327 : f32 to vector<16xf32>
        %select_n3A_329 = arith.select %lt3A_325, %gather3A_326, %broadcast_in_dim3A_328 : vector<16xi1>, vector<16xf32>
        %swap3A_330 = arith.index_cast %mul3A_316 : i32 to index
        %swap3A_331 = tpu.vector_load %arg9[%swap3A_330] {strides = array<i32>} : memref<4096xf32, #tpu.memory_space<vmem>>, vector<16xf32>,
        tpu.vector_store %arg9[%swap3A_330], %select_n3A_329 {strides = array<i32>} : memref<4096xf32, #tpu.memory_space<vmem>>, vector<16xf32>,
        %mul3A_332 = arith.constant 8 : i32
        %mul3A_333 = arith.muli %scan3A_231, %mul3A_332 : i32
        %add3A_334 = arith.constant 5 : i32
        %add3A_335 = arith.addi %mul3A_333, %add3A_334 : i32
        %mul3A_336 = arith.constant 16 : i32
        %mul3A_337 = arith.muli %add3A_335, %mul3A_336 : i32
        %get3A_338 = arith.index_cast %mul3A_337 : i32 to index
        %get3A_339 = tpu.vector_load %arg8[%get3A_338] {strides = array<i32>} : memref<4096xi32, #tpu.memory_space<vmem>>, vector<16xi32>,
        %sub3A_340 = arith.constant 0 : i32
        %sub3A_341 = vector.broadcast %sub3A_340 : i32 to vector<16xi32>
        %sub3A_342 = arith.subi %get3A_339, %sub3A_341 : vector<16xi32>
        %bitcast_convert_type3A_343 = tpu.bitcast %sub3A_342 : vector<16xi32> -> vector<16xi32>
        %lt3A_344 = arith.constant 33280 : i32
        %lt3A_345 = vector.broadcast %lt3A_344 : i32 to vector<16xi32>
        %lt3A_346 = arith.cmpi ult, %bitcast_convert_type3A_343, %lt3A_345 : vector<16xi32>
        %gather3A_347 = tpu.vector_load_idx %arg5[%sub3A_342] masked %lt3A_346 : memref<33280xf32, #tpu.memory_space<vmem>>[vector<16xi32>], vector<16xf32>, vector<16xi1>
        %jit3A_348 = arith.constant 0.000000e+00 : f32
        %broadcast_in_dim3A_349 = vector.broadcast %jit3A_348 : f32 to vector<16xf32>
        %select_n3A_350 = arith.select %lt3A_346, %gather3A_347, %broadcast_in_dim3A_349 : vector<16xi1>, vector<16xf32>
        %swap3A_351 = arith.index_cast %mul3A_337 : i32 to index
        %swap3A_352 = tpu.vector_load %arg9[%swap3A_351] {strides = array<i32>} : memref<4096xf32, #tpu.memory_space<vmem>>, vector<16xf32>,
        tpu.vector_store %arg9[%swap3A_351], %select_n3A_350 {strides = array<i32>} : memref<4096xf32, #tpu.memory_space<vmem>>, vector<16xf32>,
        %mul3A_353 = arith.constant 8 : i32
        %mul3A_354 = arith.muli %scan3A_231, %mul3A_353 : i32
        %add3A_355 = arith.constant 6 : i32
        %add3A_356 = arith.addi %mul3A_354, %add3A_355 : i32
        %mul3A_357 = arith.constant 16 : i32
        %mul3A_358 = arith.muli %add3A_356, %mul3A_357 : i32
        %get3A_359 = arith.index_cast %mul3A_358 : i32 to index
        %get3A_360 = tpu.vector_load %arg8[%get3A_359] {strides = array<i32>} : memref<4096xi32, #tpu.memory_space<vmem>>, vector<16xi32>,
        %sub3A_361 = arith.constant 0 : i32
        %sub3A_362 = vector.broadcast %sub3A_361 : i32 to vector<16xi32>
        %sub3A_363 = arith.subi %get3A_360, %sub3A_362 : vector<16xi32>
        %bitcast_convert_type3A_364 = tpu.bitcast %sub3A_363 : vector<16xi32> -> vector<16xi32>
        %lt3A_365 = arith.constant 33280 : i32
        %lt3A_366 = vector.broadcast %lt3A_365 : i32 to vector<16xi32>
        %lt3A_367 = arith.cmpi ult, %bitcast_convert_type3A_364, %lt3A_366 : vector<16xi32>
        %gather3A_368 = tpu.vector_load_idx %arg5[%sub3A_363] masked %lt3A_367 : memref<33280xf32, #tpu.memory_space<vmem>>[vector<16xi32>], vector<16xf32>, vector<16xi1>
        %jit3A_369 = arith.constant 0.000000e+00 : f32
        %broadcast_in_dim3A_370 = vector.broadcast %jit3A_369 : f32 to vector<16xf32>
        %select_n3A_371 = arith.select %lt3A_367, %gather3A_368, %broadcast_in_dim3A_370 : vector<16xi1>, vector<16xf32>
        %swap3A_372 = arith.index_cast %mul3A_358 : i32 to index
        %swap3A_373 = tpu.vector_load %arg9[%swap3A_372] {strides = array<i32>} : memref<4096xf32, #tpu.memory_space<vmem>>, vector<16xf32>,
        tpu.vector_store %arg9[%swap3A_372], %select_n3A_371 {strides = array<i32>} : memref<4096xf32, #tpu.memory_space<vmem>>, vector<16xf32>,
        %mul3A_374 = arith.constant 8 : i32
        %mul3A_375 = arith.muli %scan3A_231, %mul3A_374 : i32
        %add3A_376 = arith.constant 7 : i32
        %add3A_377 = arith.addi %mul3A_375, %add3A_376 : i32
        %mul3A_378 = arith.constant 16 : i32
        %mul3A_379 = arith.muli %add3A_377, %mul3A_378 : i32
        %get3A_380 = arith.index_cast %mul3A_379 : i32 to index
        %get3A_381 = tpu.vector_load %arg8[%get3A_380] {strides = array<i32>} : memref<4096xi32, #tpu.memory_space<vmem>>, vector<16xi32>,
        %sub3A_382 = arith.constant 0 : i32
        %sub3A_383 = vector.broadcast %sub3A_382 : i32 to vector<16xi32>
        %sub3A_384 = arith.subi %get3A_381, %sub3A_383 : vector<16xi32>
        %bitcast_convert_type3A_385 = tpu.bitcast %sub3A_384 : vector<16xi32> -> vector<16xi32>
        %lt3A_386 = arith.constant 33280 : i32
        %lt3A_387 = vector.broadcast %lt3A_386 : i32 to vector<16xi32>
        %lt3A_388 = arith.cmpi ult, %bitcast_convert_type3A_385, %lt3A_387 : vector<16xi32>
        %gather3A_389 = tpu.vector_load_idx %arg5[%sub3A_384] masked %lt3A_388 : memref<33280xf32, #tpu.memory_space<vmem>>[vector<16xi32>], vector<16xf32>, vector<16xi1>
        %jit3A_390 = arith.constant 0.000000e+00 : f32
        %broadcast_in_dim3A_391 = vector.broadcast %jit3A_390 : f32 to vector<16xf32>
        %select_n3A_392 = arith.select %lt3A_388, %gather3A_389, %broadcast_in_dim3A_391 : vector<16xi1>, vector<16xf32>
        %swap3A_393 = arith.index_cast %mul3A_379 : i32 to index
        %swap3A_394 = tpu.vector_load %arg9[%swap3A_393] {strides = array<i32>} : memref<4096xf32, #tpu.memory_space<vmem>>, vector<16xf32>,
        tpu.vector_store %arg9[%swap3A_393], %select_n3A_392 {strides = array<i32>} : memref<4096xf32, #tpu.memory_space<vmem>>, vector<16xf32>,
      }
      %scan3A_191 = arith.constant 32 : i32
      %lt3A_192 = arith.constant 25 : i32
      %lt3A_193 = arith.cmpi slt, %scan3A_136, %lt3A_192 : i32
      %convert_element_type3A_194 = arith.extui %lt3A_193 : i1 to i32
      %cond3A_195 = arith.constant 0 : i32
      %cond3A_196 = arith.cmpi ne, %convert_element_type3A_194, %cond3A_195 : i32
      scf.if %cond3A_196 {
        %add3A_231 = arith.constant 1 : i32
        %add3A_232 = arith.addi %add3A_138, %add3A_231 : i32
        %jit3A_233 = arith.constant 32 : i32
        %div3A_234 = arith.divsi %add3A_232, %jit3A_233 : i32
        %sign3A_235 = arith.constant 0 : i32
        %sign3A_236 = arith.cmpi sgt, %add3A_232, %sign3A_235 : i32
        %sign3A_237 = arith.extui %sign3A_236 : i1 to i32
        %sign3A_238 = arith.constant 0 : i32
        %sign3A_239 = arith.cmpi slt, %add3A_232, %sign3A_238 : i32
        %sign3A_240 = arith.extui %sign3A_239 : i1 to i32
        %sign3A_241 = arith.subi %sign3A_237, %sign3A_240 : i32
        %sign3A_242 = arith.constant 0 : i32
        %sign3A_243 = arith.cmpi sgt, %jit3A_233, %sign3A_242 : i32
        %sign3A_244 = arith.extui %sign3A_243 : i1 to i32
        %sign3A_245 = arith.constant 0 : i32
        %sign3A_246 = arith.cmpi slt, %jit3A_233, %sign3A_245 : i32
        %sign3A_247 = arith.extui %sign3A_246 : i1 to i32
        %sign3A_248 = arith.subi %sign3A_244, %sign3A_247 : i32
        %ne3A_249 = arith.cmpi ne, %sign3A_241, %sign3A_248 : i32
        %rem3A_250 = arith.remsi %add3A_232, %jit3A_233 : i32
        %ne3A_251 = arith.constant 0 : i32
        %ne3A_252 = arith.cmpi ne, %rem3A_250, %ne3A_251 : i32
        %and3A_253 = arith.andi %ne3A_249, %ne3A_252 : i1
        %sub3A_254 = arith.constant 1 : i32
        %sub3A_255 = arith.subi %div3A_234, %sub3A_254 : i32
        %select_n3A_256 = arith.select %and3A_253, %sub3A_255, %div3A_234 : i32
        %jit3A_257 = arith.constant 32 : i32
        %eq3A_258 = arith.constant 0 : i32
        %eq3A_259 = arith.cmpi eq, %jit3A_257, %eq3A_258 : i32
        %jit3A_260 = arith.constant 1 : i32
        %select_n3A_261 = arith.select %eq3A_259, %jit3A_260, %jit3A_257 : i32
        %rem3A_262 = arith.remsi %add3A_232, %select_n3A_261 : i32
        %ne3A_263 = arith.constant 0 : i32
        %ne3A_264 = arith.cmpi ne, %rem3A_262, %ne3A_263 : i32
        %lt3A_265 = arith.constant 0 : i32
        %lt3A_266 = arith.cmpi slt, %rem3A_262, %lt3A_265 : i32
        %lt3A_267 = arith.constant 0 : i32
        %lt3A_268 = arith.cmpi slt, %select_n3A_261, %lt3A_267 : i32
        %ne3A_269 = arith.xori %lt3A_266, %lt3A_268 : i1
        %and3A_270 = arith.andi %ne3A_269, %ne3A_264 : i1
        %add3A_271 = arith.addi %rem3A_262, %select_n3A_261 : i32
        %select_n3A_272 = arith.select %and3A_270, %add3A_271, %rem3A_262 : i32
        %dma_start3A_273 = arith.constant 0 : i32
        %dma_start3A_274 = tpu.memref_slice %arg3[%select_n3A_256, %select_n3A_272, %dma_start3A_273] : memref<26x32x100000xf32, #tpu.memory_space<hbm>> -> memref<1x1x33280xf32, #tpu.memory_space<hbm>>
        %dma_start3A_275 = tpu.memref_squeeze %dma_start3A_274 : memref<1x1x33280xf32, #tpu.memory_space<hbm>> -> memref<33280xf32, #tpu.memory_space<hbm>>
        %dma_start3A_276 = arith.constant 0 : i32
        %dma_start3A_277 = tpu.memref_slice %arg3[%select_n3A_256, %select_n3A_272, %dma_start3A_276] : memref<26x32x100000xf32, #tpu.memory_space<hbm>> -> memref<1x1x33280xf32, #tpu.memory_space<hbm>>
        %dma_start3A_278 = tpu.memref_squeeze %dma_start3A_277 : memref<1x1x33280xf32, #tpu.memory_space<hbm>> -> memref<33280xf32, #tpu.memory_space<hbm>>
        tpu.enqueue_dma source(%dma_start3A_278 : memref<33280xf32, #tpu.memory_space<hbm>>) target(%arg5 : memref<33280xf32, #tpu.memory_space<vmem>>) target_semaphore(%arg10 : memref<!tpu.dma_semaphore, #tpu.memory_space<semaphore_mem>>)
      } else {
      }
      %dma_wait3A_197 = arith.constant 33280 : i32
      %dma_wait3A_198 = tpu.memref_slice %arg3[%select_n3A_162, %select_n3A_178, %dma_wait3A_197] : memref<26x32x100000xf32, #tpu.memory_space<hbm>> -> memref<1x1x33280xf32, #tpu.memory_space<hbm>>
      %dma_wait3A_199 = tpu.memref_squeeze %dma_wait3A_198 : memref<1x1x33280xf32, #tpu.memory_space<hbm>> -> memref<33280xf32, #tpu.memory_space<hbm>>
      %dma_wait3A_200 = arith.constant 33280 : i32
      %dma_wait3A_201 = tpu.memref_slice %arg3[%select_n3A_162, %select_n3A_178, %dma_wait3A_200] : memref<26x32x100000xf32, #tpu.memory_space<hbm>> -> memref<1x1x33280xf32, #tpu.memory_space<hbm>>
      %dma_wait3A_202 = tpu.memref_squeeze %dma_wait3A_201 : memref<1x1x33280xf32, #tpu.memory_space<hbm>> -> memref<33280xf32, #tpu.memory_space<hbm>>
      tpu.wait_dma2 semaphore(%arg11 : memref<!tpu.dma_semaphore, #tpu.memory_space<semaphore_mem>>) src(%dma_wait3A_202 : memref<33280xf32, #tpu.memory_space<hbm>>) dst(%arg6 : memref<33280xf32, #tpu.memory_space<vmem>>)
      %scan3A_203 = arith.constant 0 : i32
      %scan3A_204 = arith.constant 0 : i32
      %scan3A_205 = arith.constant 32 : i32
      %scan3A_206 = arith.addi %scan3A_204, %scan3A_205 : i32
      %scan3A_207 = arith.constant 1 : i32
      scf.for %scan3A_231 = %scan3A_204 to %scan3A_206 step %scan3A_207  : i32 {
        %mul3A_232 = arith.constant 8 : i32
        %mul3A_233 = arith.muli %scan3A_231, %mul3A_232 : i32
        %add3A_234 = arith.constant 0 : i32
        %add3A_235 = arith.addi %mul3A_233, %add3A_234 : i32
        %mul3A_236 = arith.constant 16 : i32
        %mul3A_237 = arith.muli %add3A_235, %mul3A_236 : i32
        %get3A = arith.index_cast %mul3A_237 : i32 to index
        %get3A_238 = tpu.vector_load %arg8[%get3A] {strides = array<i32>} : memref<4096xi32, #tpu.memory_space<vmem>>, vector<16xi32>,
        %sub3A_239 = arith.constant 33280 : i32
        %sub3A_240 = vector.broadcast %sub3A_239 : i32 to vector<16xi32>
        %sub3A_241 = arith.subi %get3A_238, %sub3A_240 : vector<16xi32>
        %bitcast_convert_type3A = tpu.bitcast %sub3A_241 : vector<16xi32> -> vector<16xi32>
        %lt3A_242 = arith.constant 33280 : i32
        %lt3A_243 = vector.broadcast %lt3A_242 : i32 to vector<16xi32>
        %lt3A_244 = arith.cmpi ult, %bitcast_convert_type3A, %lt3A_243 : vector<16xi32>
        %gather3A = tpu.vector_load_idx %arg6[%sub3A_241] masked %lt3A_244 : memref<33280xf32, #tpu.memory_space<vmem>>[vector<16xi32>], vector<16xf32>, vector<16xi1>
        %get3A_245 = arith.index_cast %mul3A_237 : i32 to index
        %get3A_246 = tpu.vector_load %arg9[%get3A_245] {strides = array<i32>} : memref<4096xf32, #tpu.memory_space<vmem>>, vector<16xf32>,
        %select_n3A_247 = arith.select %lt3A_244, %gather3A, %get3A_246 : vector<16xi1>, vector<16xf32>
        %swap3A = arith.index_cast %mul3A_237 : i32 to index
        %swap3A_248 = tpu.vector_load %arg9[%swap3A] {strides = array<i32>} : memref<4096xf32, #tpu.memory_space<vmem>>, vector<16xf32>,
        tpu.vector_store %arg9[%swap3A], %select_n3A_247 {strides = array<i32>} : memref<4096xf32, #tpu.memory_space<vmem>>, vector<16xf32>,
        %mul3A_249 = arith.constant 8 : i32
        %mul3A_250 = arith.muli %scan3A_231, %mul3A_249 : i32
        %add3A_251 = arith.constant 1 : i32
        %add3A_252 = arith.addi %mul3A_250, %add3A_251 : i32
        %mul3A_253 = arith.constant 16 : i32
        %mul3A_254 = arith.muli %add3A_252, %mul3A_253 : i32
        %get3A_255 = arith.index_cast %mul3A_254 : i32 to index
        %get3A_256 = tpu.vector_load %arg8[%get3A_255] {strides = array<i32>} : memref<4096xi32, #tpu.memory_space<vmem>>, vector<16xi32>,
        %sub3A_257 = arith.constant 33280 : i32
        %sub3A_258 = vector.broadcast %sub3A_257 : i32 to vector<16xi32>
        %sub3A_259 = arith.subi %get3A_256, %sub3A_258 : vector<16xi32>
        %bitcast_convert_type3A_260 = tpu.bitcast %sub3A_259 : vector<16xi32> -> vector<16xi32>
        %lt3A_261 = arith.constant 33280 : i32
        %lt3A_262 = vector.broadcast %lt3A_261 : i32 to vector<16xi32>
        %lt3A_263 = arith.cmpi ult, %bitcast_convert_type3A_260, %lt3A_262 : vector<16xi32>
        %gather3A_264 = tpu.vector_load_idx %arg6[%sub3A_259] masked %lt3A_263 : memref<33280xf32, #tpu.memory_space<vmem>>[vector<16xi32>], vector<16xf32>, vector<16xi1>
        %get3A_265 = arith.index_cast %mul3A_254 : i32 to index
        %get3A_266 = tpu.vector_load %arg9[%get3A_265] {strides = array<i32>} : memref<4096xf32, #tpu.memory_space<vmem>>, vector<16xf32>,
        %select_n3A_267 = arith.select %lt3A_263, %gather3A_264, %get3A_266 : vector<16xi1>, vector<16xf32>
        %swap3A_268 = arith.index_cast %mul3A_254 : i32 to index
        %swap3A_269 = tpu.vector_load %arg9[%swap3A_268] {strides = array<i32>} : memref<4096xf32, #tpu.memory_space<vmem>>, vector<16xf32>,
        tpu.vector_store %arg9[%swap3A_268], %select_n3A_267 {strides = array<i32>} : memref<4096xf32, #tpu.memory_space<vmem>>, vector<16xf32>,
        %mul3A_270 = arith.constant 8 : i32
        %mul3A_271 = arith.muli %scan3A_231, %mul3A_270 : i32
        %add3A_272 = arith.constant 2 : i32
        %add3A_273 = arith.addi %mul3A_271, %add3A_272 : i32
        %mul3A_274 = arith.constant 16 : i32
        %mul3A_275 = arith.muli %add3A_273, %mul3A_274 : i32
        %get3A_276 = arith.index_cast %mul3A_275 : i32 to index
        %get3A_277 = tpu.vector_load %arg8[%get3A_276] {strides = array<i32>} : memref<4096xi32, #tpu.memory_space<vmem>>, vector<16xi32>,
        %sub3A_278 = arith.constant 33280 : i32
        %sub3A_279 = vector.broadcast %sub3A_278 : i32 to vector<16xi32>
        %sub3A_280 = arith.subi %get3A_277, %sub3A_279 : vector<16xi32>
        %bitcast_convert_type3A_281 = tpu.bitcast %sub3A_280 : vector<16xi32> -> vector<16xi32>
        %lt3A_282 = arith.constant 33280 : i32
        %lt3A_283 = vector.broadcast %lt3A_282 : i32 to vector<16xi32>
        %lt3A_284 = arith.cmpi ult, %bitcast_convert_type3A_281, %lt3A_283 : vector<16xi32>
        %gather3A_285 = tpu.vector_load_idx %arg6[%sub3A_280] masked %lt3A_284 : memref<33280xf32, #tpu.memory_space<vmem>>[vector<16xi32>], vector<16xf32>, vector<16xi1>
        %get3A_286 = arith.index_cast %mul3A_275 : i32 to index
        %get3A_287 = tpu.vector_load %arg9[%get3A_286] {strides = array<i32>} : memref<4096xf32, #tpu.memory_space<vmem>>, vector<16xf32>,
        %select_n3A_288 = arith.select %lt3A_284, %gather3A_285, %get3A_287 : vector<16xi1>, vector<16xf32>
        %swap3A_289 = arith.index_cast %mul3A_275 : i32 to index
        %swap3A_290 = tpu.vector_load %arg9[%swap3A_289] {strides = array<i32>} : memref<4096xf32, #tpu.memory_space<vmem>>, vector<16xf32>,
        tpu.vector_store %arg9[%swap3A_289], %select_n3A_288 {strides = array<i32>} : memref<4096xf32, #tpu.memory_space<vmem>>, vector<16xf32>,
        %mul3A_291 = arith.constant 8 : i32
        %mul3A_292 = arith.muli %scan3A_231, %mul3A_291 : i32
        %add3A_293 = arith.constant 3 : i32
        %add3A_294 = arith.addi %mul3A_292, %add3A_293 : i32
        %mul3A_295 = arith.constant 16 : i32
        %mul3A_296 = arith.muli %add3A_294, %mul3A_295 : i32
        %get3A_297 = arith.index_cast %mul3A_296 : i32 to index
        %get3A_298 = tpu.vector_load %arg8[%get3A_297] {strides = array<i32>} : memref<4096xi32, #tpu.memory_space<vmem>>, vector<16xi32>,
        %sub3A_299 = arith.constant 33280 : i32
        %sub3A_300 = vector.broadcast %sub3A_299 : i32 to vector<16xi32>
        %sub3A_301 = arith.subi %get3A_298, %sub3A_300 : vector<16xi32>
        %bitcast_convert_type3A_302 = tpu.bitcast %sub3A_301 : vector<16xi32> -> vector<16xi32>
        %lt3A_303 = arith.constant 33280 : i32
        %lt3A_304 = vector.broadcast %lt3A_303 : i32 to vector<16xi32>
        %lt3A_305 = arith.cmpi ult, %bitcast_convert_type3A_302, %lt3A_304 : vector<16xi32>
        %gather3A_306 = tpu.vector_load_idx %arg6[%sub3A_301] masked %lt3A_305 : memref<33280xf32, #tpu.memory_space<vmem>>[vector<16xi32>], vector<16xf32>, vector<16xi1>
        %get3A_307 = arith.index_cast %mul3A_296 : i32 to index
        %get3A_308 = tpu.vector_load %arg9[%get3A_307] {strides = array<i32>} : memref<4096xf32, #tpu.memory_space<vmem>>, vector<16xf32>,
        %select_n3A_309 = arith.select %lt3A_305, %gather3A_306, %get3A_308 : vector<16xi1>, vector<16xf32>
        %swap3A_310 = arith.index_cast %mul3A_296 : i32 to index
        %swap3A_311 = tpu.vector_load %arg9[%swap3A_310] {strides = array<i32>} : memref<4096xf32, #tpu.memory_space<vmem>>, vector<16xf32>,
        tpu.vector_store %arg9[%swap3A_310], %select_n3A_309 {strides = array<i32>} : memref<4096xf32, #tpu.memory_space<vmem>>, vector<16xf32>,
        %mul3A_312 = arith.constant 8 : i32
        %mul3A_313 = arith.muli %scan3A_231, %mul3A_312 : i32
        %add3A_314 = arith.constant 4 : i32
        %add3A_315 = arith.addi %mul3A_313, %add3A_314 : i32
        %mul3A_316 = arith.constant 16 : i32
        %mul3A_317 = arith.muli %add3A_315, %mul3A_316 : i32
        %get3A_318 = arith.index_cast %mul3A_317 : i32 to index
        %get3A_319 = tpu.vector_load %arg8[%get3A_318] {strides = array<i32>} : memref<4096xi32, #tpu.memory_space<vmem>>, vector<16xi32>,
        %sub3A_320 = arith.constant 33280 : i32
        %sub3A_321 = vector.broadcast %sub3A_320 : i32 to vector<16xi32>
        %sub3A_322 = arith.subi %get3A_319, %sub3A_321 : vector<16xi32>
        %bitcast_convert_type3A_323 = tpu.bitcast %sub3A_322 : vector<16xi32> -> vector<16xi32>
        %lt3A_324 = arith.constant 33280 : i32
        %lt3A_325 = vector.broadcast %lt3A_324 : i32 to vector<16xi32>
        %lt3A_326 = arith.cmpi ult, %bitcast_convert_type3A_323, %lt3A_325 : vector<16xi32>
        %gather3A_327 = tpu.vector_load_idx %arg6[%sub3A_322] masked %lt3A_326 : memref<33280xf32, #tpu.memory_space<vmem>>[vector<16xi32>], vector<16xf32>, vector<16xi1>
        %get3A_328 = arith.index_cast %mul3A_317 : i32 to index
        %get3A_329 = tpu.vector_load %arg9[%get3A_328] {strides = array<i32>} : memref<4096xf32, #tpu.memory_space<vmem>>, vector<16xf32>,
        %select_n3A_330 = arith.select %lt3A_326, %gather3A_327, %get3A_329 : vector<16xi1>, vector<16xf32>
        %swap3A_331 = arith.index_cast %mul3A_317 : i32 to index
        %swap3A_332 = tpu.vector_load %arg9[%swap3A_331] {strides = array<i32>} : memref<4096xf32, #tpu.memory_space<vmem>>, vector<16xf32>,
        tpu.vector_store %arg9[%swap3A_331], %select_n3A_330 {strides = array<i32>} : memref<4096xf32, #tpu.memory_space<vmem>>, vector<16xf32>,
        %mul3A_333 = arith.constant 8 : i32
        %mul3A_334 = arith.muli %scan3A_231, %mul3A_333 : i32
        %add3A_335 = arith.constant 5 : i32
        %add3A_336 = arith.addi %mul3A_334, %add3A_335 : i32
        %mul3A_337 = arith.constant 16 : i32
        %mul3A_338 = arith.muli %add3A_336, %mul3A_337 : i32
        %get3A_339 = arith.index_cast %mul3A_338 : i32 to index
        %get3A_340 = tpu.vector_load %arg8[%get3A_339] {strides = array<i32>} : memref<4096xi32, #tpu.memory_space<vmem>>, vector<16xi32>,
        %sub3A_341 = arith.constant 33280 : i32
        %sub3A_342 = vector.broadcast %sub3A_341 : i32 to vector<16xi32>
        %sub3A_343 = arith.subi %get3A_340, %sub3A_342 : vector<16xi32>
        %bitcast_convert_type3A_344 = tpu.bitcast %sub3A_343 : vector<16xi32> -> vector<16xi32>
        %lt3A_345 = arith.constant 33280 : i32
        %lt3A_346 = vector.broadcast %lt3A_345 : i32 to vector<16xi32>
        %lt3A_347 = arith.cmpi ult, %bitcast_convert_type3A_344, %lt3A_346 : vector<16xi32>
        %gather3A_348 = tpu.vector_load_idx %arg6[%sub3A_343] masked %lt3A_347 : memref<33280xf32, #tpu.memory_space<vmem>>[vector<16xi32>], vector<16xf32>, vector<16xi1>
        %get3A_349 = arith.index_cast %mul3A_338 : i32 to index
        %get3A_350 = tpu.vector_load %arg9[%get3A_349] {strides = array<i32>} : memref<4096xf32, #tpu.memory_space<vmem>>, vector<16xf32>,
        %select_n3A_351 = arith.select %lt3A_347, %gather3A_348, %get3A_350 : vector<16xi1>, vector<16xf32>
        %swap3A_352 = arith.index_cast %mul3A_338 : i32 to index
        %swap3A_353 = tpu.vector_load %arg9[%swap3A_352] {strides = array<i32>} : memref<4096xf32, #tpu.memory_space<vmem>>, vector<16xf32>,
        tpu.vector_store %arg9[%swap3A_352], %select_n3A_351 {strides = array<i32>} : memref<4096xf32, #tpu.memory_space<vmem>>, vector<16xf32>,
        %mul3A_354 = arith.constant 8 : i32
        %mul3A_355 = arith.muli %scan3A_231, %mul3A_354 : i32
        %add3A_356 = arith.constant 6 : i32
        %add3A_357 = arith.addi %mul3A_355, %add3A_356 : i32
        %mul3A_358 = arith.constant 16 : i32
        %mul3A_359 = arith.muli %add3A_357, %mul3A_358 : i32
        %get3A_360 = arith.index_cast %mul3A_359 : i32 to index
        %get3A_361 = tpu.vector_load %arg8[%get3A_360] {strides = array<i32>} : memref<4096xi32, #tpu.memory_space<vmem>>, vector<16xi32>,
        %sub3A_362 = arith.constant 33280 : i32
        %sub3A_363 = vector.broadcast %sub3A_362 : i32 to vector<16xi32>
        %sub3A_364 = arith.subi %get3A_361, %sub3A_363 : vector<16xi32>
        %bitcast_convert_type3A_365 = tpu.bitcast %sub3A_364 : vector<16xi32> -> vector<16xi32>
        %lt3A_366 = arith.constant 33280 : i32
        %lt3A_367 = vector.broadcast %lt3A_366 : i32 to vector<16xi32>
        %lt3A_368 = arith.cmpi ult, %bitcast_convert_type3A_365, %lt3A_367 : vector<16xi32>
        %gather3A_369 = tpu.vector_load_idx %arg6[%sub3A_364] masked %lt3A_368 : memref<33280xf32, #tpu.memory_space<vmem>>[vector<16xi32>], vector<16xf32>, vector<16xi1>
        %get3A_370 = arith.index_cast %mul3A_359 : i32 to index
        %get3A_371 = tpu.vector_load %arg9[%get3A_370] {strides = array<i32>} : memref<4096xf32, #tpu.memory_space<vmem>>, vector<16xf32>,
        %select_n3A_372 = arith.select %lt3A_368, %gather3A_369, %get3A_371 : vector<16xi1>, vector<16xf32>
        %swap3A_373 = arith.index_cast %mul3A_359 : i32 to index
        %swap3A_374 = tpu.vector_load %arg9[%swap3A_373] {strides = array<i32>} : memref<4096xf32, #tpu.memory_space<vmem>>, vector<16xf32>,
        tpu.vector_store %arg9[%swap3A_373], %select_n3A_372 {strides = array<i32>} : memref<4096xf32, #tpu.memory_space<vmem>>, vector<16xf32>,
        %mul3A_375 = arith.constant 8 : i32
        %mul3A_376 = arith.muli %scan3A_231, %mul3A_375 : i32
        %add3A_377 = arith.constant 7 : i32
        %add3A_378 = arith.addi %mul3A_376, %add3A_377 : i32
        %mul3A_379 = arith.constant 16 : i32
        %mul3A_380 = arith.muli %add3A_378, %mul3A_379 : i32
        %get3A_381 = arith.index_cast %mul3A_380 : i32 to index
        %get3A_382 = tpu.vector_load %arg8[%get3A_381] {strides = array<i32>} : memref<4096xi32, #tpu.memory_space<vmem>>, vector<16xi32>,
        %sub3A_383 = arith.constant 33280 : i32
        %sub3A_384 = vector.broadcast %sub3A_383 : i32 to vector<16xi32>
        %sub3A_385 = arith.subi %get3A_382, %sub3A_384 : vector<16xi32>
        %bitcast_convert_type3A_386 = tpu.bitcast %sub3A_385 : vector<16xi32> -> vector<16xi32>
        %lt3A_387 = arith.constant 33280 : i32
        %lt3A_388 = vector.broadcast %lt3A_387 : i32 to vector<16xi32>
        %lt3A_389 = arith.cmpi ult, %bitcast_convert_type3A_386, %lt3A_388 : vector<16xi32>
        %gather3A_390 = tpu.vector_load_idx %arg6[%sub3A_385] masked %lt3A_389 : memref<33280xf32, #tpu.memory_space<vmem>>[vector<16xi32>], vector<16xf32>, vector<16xi1>
        %get3A_391 = arith.index_cast %mul3A_380 : i32 to index
        %get3A_392 = tpu.vector_load %arg9[%get3A_391] {strides = array<i32>} : memref<4096xf32, #tpu.memory_space<vmem>>, vector<16xf32>,
        %select_n3A_393 = arith.select %lt3A_389, %gather3A_390, %get3A_392 : vector<16xi1>, vector<16xf32>
        %swap3A_394 = arith.index_cast %mul3A_380 : i32 to index
        %swap3A_395 = tpu.vector_load %arg9[%swap3A_394] {strides = array<i32>} : memref<4096xf32, #tpu.memory_space<vmem>>, vector<16xf32>,
        tpu.vector_store %arg9[%swap3A_394], %select_n3A_393 {strides = array<i32>} : memref<4096xf32, #tpu.memory_space<vmem>>, vector<16xf32>,
      }
      %scan3A_208 = arith.constant 32 : i32
      %lt3A_209 = arith.constant 25 : i32
      %lt3A_210 = arith.cmpi slt, %scan3A_136, %lt3A_209 : i32
      %convert_element_type3A_211 = arith.extui %lt3A_210 : i1 to i32
      %cond3A_212 = arith.constant 0 : i32
      %cond3A_213 = arith.cmpi ne, %convert_element_type3A_211, %cond3A_212 : i32
      scf.if %cond3A_213 {
        %add3A_231 = arith.constant 1 : i32
        %add3A_232 = arith.addi %add3A_138, %add3A_231 : i32
        %jit3A_233 = arith.constant 32 : i32
        %div3A_234 = arith.divsi %add3A_232, %jit3A_233 : i32
        %sign3A_235 = arith.constant 0 : i32
        %sign3A_236 = arith.cmpi sgt, %add3A_232, %sign3A_235 : i32
        %sign3A_237 = arith.extui %sign3A_236 : i1 to i32
        %sign3A_238 = arith.constant 0 : i32
        %sign3A_239 = arith.cmpi slt, %add3A_232, %sign3A_238 : i32
        %sign3A_240 = arith.extui %sign3A_239 : i1 to i32
        %sign3A_241 = arith.subi %sign3A_237, %sign3A_240 : i32
        %sign3A_242 = arith.constant 0 : i32
        %sign3A_243 = arith.cmpi sgt, %jit3A_233, %sign3A_242 : i32
        %sign3A_244 = arith.extui %sign3A_243 : i1 to i32
        %sign3A_245 = arith.constant 0 : i32
        %sign3A_246 = arith.cmpi slt, %jit3A_233, %sign3A_245 : i32
        %sign3A_247 = arith.extui %sign3A_246 : i1 to i32
        %sign3A_248 = arith.subi %sign3A_244, %sign3A_247 : i32
        %ne3A_249 = arith.cmpi ne, %sign3A_241, %sign3A_248 : i32
        %rem3A_250 = arith.remsi %add3A_232, %jit3A_233 : i32
        %ne3A_251 = arith.constant 0 : i32
        %ne3A_252 = arith.cmpi ne, %rem3A_250, %ne3A_251 : i32
        %and3A_253 = arith.andi %ne3A_249, %ne3A_252 : i1
        %sub3A_254 = arith.constant 1 : i32
        %sub3A_255 = arith.subi %div3A_234, %sub3A_254 : i32
        %select_n3A_256 = arith.select %and3A_253, %sub3A_255, %div3A_234 : i32
        %jit3A_257 = arith.constant 32 : i32
        %eq3A_258 = arith.constant 0 : i32
        %eq3A_259 = arith.cmpi eq, %jit3A_257, %eq3A_258 : i32
        %jit3A_260 = arith.constant 1 : i32
        %select_n3A_261 = arith.select %eq3A_259, %jit3A_260, %jit3A_257 : i32
        %rem3A_262 = arith.remsi %add3A_232, %select_n3A_261 : i32
        %ne3A_263 = arith.constant 0 : i32
        %ne3A_264 = arith.cmpi ne, %rem3A_262, %ne3A_263 : i32
        %lt3A_265 = arith.constant 0 : i32
        %lt3A_266 = arith.cmpi slt, %rem3A_262, %lt3A_265 : i32
        %lt3A_267 = arith.constant 0 : i32
        %lt3A_268 = arith.cmpi slt, %select_n3A_261, %lt3A_267 : i32
        %ne3A_269 = arith.xori %lt3A_266, %lt3A_268 : i1
        %and3A_270 = arith.andi %ne3A_269, %ne3A_264 : i1
        %add3A_271 = arith.addi %rem3A_262, %select_n3A_261 : i32
        %select_n3A_272 = arith.select %and3A_270, %add3A_271, %rem3A_262 : i32
        %dma_start3A_273 = arith.constant 33280 : i32
        %dma_start3A_274 = tpu.memref_slice %arg3[%select_n3A_256, %select_n3A_272, %dma_start3A_273] : memref<26x32x100000xf32, #tpu.memory_space<hbm>> -> memref<1x1x33280xf32, #tpu.memory_space<hbm>>
        %dma_start3A_275 = tpu.memref_squeeze %dma_start3A_274 : memref<1x1x33280xf32, #tpu.memory_space<hbm>> -> memref<33280xf32, #tpu.memory_space<hbm>>
        %dma_start3A_276 = arith.constant 33280 : i32
        %dma_start3A_277 = tpu.memref_slice %arg3[%select_n3A_256, %select_n3A_272, %dma_start3A_276] : memref<26x32x100000xf32, #tpu.memory_space<hbm>> -> memref<1x1x33280xf32, #tpu.memory_space<hbm>>
        %dma_start3A_278 = tpu.memref_squeeze %dma_start3A_277 : memref<1x1x33280xf32, #tpu.memory_space<hbm>> -> memref<33280xf32, #tpu.memory_space<hbm>>
        tpu.enqueue_dma source(%dma_start3A_278 : memref<33280xf32, #tpu.memory_space<hbm>>) target(%arg6 : memref<33280xf32, #tpu.memory_space<vmem>>) target_semaphore(%arg11 : memref<!tpu.dma_semaphore, #tpu.memory_space<semaphore_mem>>)
      } else {
      }
      %dma_wait3A_214 = arith.constant 66560 : i32
      %dma_wait3A_215 = tpu.memref_slice %arg3[%select_n3A_162, %select_n3A_178, %dma_wait3A_214] : memref<26x32x100000xf32, #tpu.memory_space<hbm>> -> memref<1x1x33440xf32, #tpu.memory_space<hbm>>
      %dma_wait3A_216 = tpu.memref_squeeze %dma_wait3A_215 : memref<1x1x33440xf32, #tpu.memory_space<hbm>> -> memref<33440xf32, #tpu.memory_space<hbm>>
      %dma_wait3A_217 = arith.constant 66560 : i32
      %dma_wait3A_218 = tpu.memref_slice %arg3[%select_n3A_162, %select_n3A_178, %dma_wait3A_217] : memref<26x32x100000xf32, #tpu.memory_space<hbm>> -> memref<1x1x33440xf32, #tpu.memory_space<hbm>>
      %dma_wait3A_219 = tpu.memref_squeeze %dma_wait3A_218 : memref<1x1x33440xf32, #tpu.memory_space<hbm>> -> memref<33440xf32, #tpu.memory_space<hbm>>
      tpu.wait_dma2 semaphore(%arg12 : memref<!tpu.dma_semaphore, #tpu.memory_space<semaphore_mem>>) src(%dma_wait3A_219 : memref<33440xf32, #tpu.memory_space<hbm>>) dst(%arg7 : memref<33440xf32, #tpu.memory_space<vmem>>)
      %scan3A_220 = arith.constant 0 : i32
      %scan3A_221 = arith.constant 0 : i32
      %scan3A_222 = arith.constant 32 : i32
      %scan3A_223 = arith.addi %scan3A_221, %scan3A_222 : i32
      %scan3A_224 = arith.constant 1 : i32
      scf.for %scan3A_231 = %scan3A_221 to %scan3A_223 step %scan3A_224  : i32 {
        %mul3A_232 = arith.constant 8 : i32
        %mul3A_233 = arith.muli %scan3A_231, %mul3A_232 : i32
        %add3A_234 = arith.constant 0 : i32
        %add3A_235 = arith.addi %mul3A_233, %add3A_234 : i32
        %mul3A_236 = arith.constant 16 : i32
        %mul3A_237 = arith.muli %add3A_235, %mul3A_236 : i32
        %get3A = arith.index_cast %mul3A_237 : i32 to index
        %get3A_238 = tpu.vector_load %arg8[%get3A] {strides = array<i32>} : memref<4096xi32, #tpu.memory_space<vmem>>, vector<16xi32>,
        %sub3A_239 = arith.constant 66560 : i32
        %sub3A_240 = vector.broadcast %sub3A_239 : i32 to vector<16xi32>
        %sub3A_241 = arith.subi %get3A_238, %sub3A_240 : vector<16xi32>
        %bitcast_convert_type3A = tpu.bitcast %sub3A_241 : vector<16xi32> -> vector<16xi32>
        %lt3A_242 = arith.constant 33440 : i32
        %lt3A_243 = vector.broadcast %lt3A_242 : i32 to vector<16xi32>
        %lt3A_244 = arith.cmpi ult, %bitcast_convert_type3A, %lt3A_243 : vector<16xi32>
        %gather3A = tpu.vector_load_idx %arg7[%sub3A_241] masked %lt3A_244 : memref<33440xf32, #tpu.memory_space<vmem>>[vector<16xi32>], vector<16xf32>, vector<16xi1>
        %get3A_245 = arith.index_cast %mul3A_237 : i32 to index
        %get3A_246 = tpu.vector_load %arg9[%get3A_245] {strides = array<i32>} : memref<4096xf32, #tpu.memory_space<vmem>>, vector<16xf32>,
        %select_n3A_247 = arith.select %lt3A_244, %gather3A, %get3A_246 : vector<16xi1>, vector<16xf32>
        %swap3A = arith.index_cast %mul3A_237 : i32 to index
        %swap3A_248 = tpu.vector_load %arg9[%swap3A] {strides = array<i32>} : memref<4096xf32, #tpu.memory_space<vmem>>, vector<16xf32>,
        tpu.vector_store %arg9[%swap3A], %select_n3A_247 {strides = array<i32>} : memref<4096xf32, #tpu.memory_space<vmem>>, vector<16xf32>,
        %mul3A_249 = arith.constant 8 : i32
        %mul3A_250 = arith.muli %scan3A_231, %mul3A_249 : i32
        %add3A_251 = arith.constant 1 : i32
        %add3A_252 = arith.addi %mul3A_250, %add3A_251 : i32
        %mul3A_253 = arith.constant 16 : i32
        %mul3A_254 = arith.muli %add3A_252, %mul3A_253 : i32
        %get3A_255 = arith.index_cast %mul3A_254 : i32 to index
        %get3A_256 = tpu.vector_load %arg8[%get3A_255] {strides = array<i32>} : memref<4096xi32, #tpu.memory_space<vmem>>, vector<16xi32>,
        %sub3A_257 = arith.constant 66560 : i32
        %sub3A_258 = vector.broadcast %sub3A_257 : i32 to vector<16xi32>
        %sub3A_259 = arith.subi %get3A_256, %sub3A_258 : vector<16xi32>
        %bitcast_convert_type3A_260 = tpu.bitcast %sub3A_259 : vector<16xi32> -> vector<16xi32>
        %lt3A_261 = arith.constant 33440 : i32
        %lt3A_262 = vector.broadcast %lt3A_261 : i32 to vector<16xi32>
        %lt3A_263 = arith.cmpi ult, %bitcast_convert_type3A_260, %lt3A_262 : vector<16xi32>
        %gather3A_264 = tpu.vector_load_idx %arg7[%sub3A_259] masked %lt3A_263 : memref<33440xf32, #tpu.memory_space<vmem>>[vector<16xi32>], vector<16xf32>, vector<16xi1>
        %get3A_265 = arith.index_cast %mul3A_254 : i32 to index
        %get3A_266 = tpu.vector_load %arg9[%get3A_265] {strides = array<i32>} : memref<4096xf32, #tpu.memory_space<vmem>>, vector<16xf32>,
        %select_n3A_267 = arith.select %lt3A_263, %gather3A_264, %get3A_266 : vector<16xi1>, vector<16xf32>
        %swap3A_268 = arith.index_cast %mul3A_254 : i32 to index
        %swap3A_269 = tpu.vector_load %arg9[%swap3A_268] {strides = array<i32>} : memref<4096xf32, #tpu.memory_space<vmem>>, vector<16xf32>,
        tpu.vector_store %arg9[%swap3A_268], %select_n3A_267 {strides = array<i32>} : memref<4096xf32, #tpu.memory_space<vmem>>, vector<16xf32>,
        %mul3A_270 = arith.constant 8 : i32
        %mul3A_271 = arith.muli %scan3A_231, %mul3A_270 : i32
        %add3A_272 = arith.constant 2 : i32
        %add3A_273 = arith.addi %mul3A_271, %add3A_272 : i32
        %mul3A_274 = arith.constant 16 : i32
        %mul3A_275 = arith.muli %add3A_273, %mul3A_274 : i32
        %get3A_276 = arith.index_cast %mul3A_275 : i32 to index
        %get3A_277 = tpu.vector_load %arg8[%get3A_276] {strides = array<i32>} : memref<4096xi32, #tpu.memory_space<vmem>>, vector<16xi32>,
        %sub3A_278 = arith.constant 66560 : i32
        %sub3A_279 = vector.broadcast %sub3A_278 : i32 to vector<16xi32>
        %sub3A_280 = arith.subi %get3A_277, %sub3A_279 : vector<16xi32>
        %bitcast_convert_type3A_281 = tpu.bitcast %sub3A_280 : vector<16xi32> -> vector<16xi32>
        %lt3A_282 = arith.constant 33440 : i32
        %lt3A_283 = vector.broadcast %lt3A_282 : i32 to vector<16xi32>
        %lt3A_284 = arith.cmpi ult, %bitcast_convert_type3A_281, %lt3A_283 : vector<16xi32>
        %gather3A_285 = tpu.vector_load_idx %arg7[%sub3A_280] masked %lt3A_284 : memref<33440xf32, #tpu.memory_space<vmem>>[vector<16xi32>], vector<16xf32>, vector<16xi1>
        %get3A_286 = arith.index_cast %mul3A_275 : i32 to index
        %get3A_287 = tpu.vector_load %arg9[%get3A_286] {strides = array<i32>} : memref<4096xf32, #tpu.memory_space<vmem>>, vector<16xf32>,
        %select_n3A_288 = arith.select %lt3A_284, %gather3A_285, %get3A_287 : vector<16xi1>, vector<16xf32>
        %swap3A_289 = arith.index_cast %mul3A_275 : i32 to index
        %swap3A_290 = tpu.vector_load %arg9[%swap3A_289] {strides = array<i32>} : memref<4096xf32, #tpu.memory_space<vmem>>, vector<16xf32>,
        tpu.vector_store %arg9[%swap3A_289], %select_n3A_288 {strides = array<i32>} : memref<4096xf32, #tpu.memory_space<vmem>>, vector<16xf32>,
        %mul3A_291 = arith.constant 8 : i32
        %mul3A_292 = arith.muli %scan3A_231, %mul3A_291 : i32
        %add3A_293 = arith.constant 3 : i32
        %add3A_294 = arith.addi %mul3A_292, %add3A_293 : i32
        %mul3A_295 = arith.constant 16 : i32
        %mul3A_296 = arith.muli %add3A_294, %mul3A_295 : i32
        %get3A_297 = arith.index_cast %mul3A_296 : i32 to index
        %get3A_298 = tpu.vector_load %arg8[%get3A_297] {strides = array<i32>} : memref<4096xi32, #tpu.memory_space<vmem>>, vector<16xi32>,
        %sub3A_299 = arith.constant 66560 : i32
        %sub3A_300 = vector.broadcast %sub3A_299 : i32 to vector<16xi32>
        %sub3A_301 = arith.subi %get3A_298, %sub3A_300 : vector<16xi32>
        %bitcast_convert_type3A_302 = tpu.bitcast %sub3A_301 : vector<16xi32> -> vector<16xi32>
        %lt3A_303 = arith.constant 33440 : i32
        %lt3A_304 = vector.broadcast %lt3A_303 : i32 to vector<16xi32>
        %lt3A_305 = arith.cmpi ult, %bitcast_convert_type3A_302, %lt3A_304 : vector<16xi32>
        %gather3A_306 = tpu.vector_load_idx %arg7[%sub3A_301] masked %lt3A_305 : memref<33440xf32, #tpu.memory_space<vmem>>[vector<16xi32>], vector<16xf32>, vector<16xi1>
        %get3A_307 = arith.index_cast %mul3A_296 : i32 to index
        %get3A_308 = tpu.vector_load %arg9[%get3A_307] {strides = array<i32>} : memref<4096xf32, #tpu.memory_space<vmem>>, vector<16xf32>,
        %select_n3A_309 = arith.select %lt3A_305, %gather3A_306, %get3A_308 : vector<16xi1>, vector<16xf32>
        %swap3A_310 = arith.index_cast %mul3A_296 : i32 to index
        %swap3A_311 = tpu.vector_load %arg9[%swap3A_310] {strides = array<i32>} : memref<4096xf32, #tpu.memory_space<vmem>>, vector<16xf32>,
        tpu.vector_store %arg9[%swap3A_310], %select_n3A_309 {strides = array<i32>} : memref<4096xf32, #tpu.memory_space<vmem>>, vector<16xf32>,
        %mul3A_312 = arith.constant 8 : i32
        %mul3A_313 = arith.muli %scan3A_231, %mul3A_312 : i32
        %add3A_314 = arith.constant 4 : i32
        %add3A_315 = arith.addi %mul3A_313, %add3A_314 : i32
        %mul3A_316 = arith.constant 16 : i32
        %mul3A_317 = arith.muli %add3A_315, %mul3A_316 : i32
        %get3A_318 = arith.index_cast %mul3A_317 : i32 to index
        %get3A_319 = tpu.vector_load %arg8[%get3A_318] {strides = array<i32>} : memref<4096xi32, #tpu.memory_space<vmem>>, vector<16xi32>,
        %sub3A_320 = arith.constant 66560 : i32
        %sub3A_321 = vector.broadcast %sub3A_320 : i32 to vector<16xi32>
        %sub3A_322 = arith.subi %get3A_319, %sub3A_321 : vector<16xi32>
        %bitcast_convert_type3A_323 = tpu.bitcast %sub3A_322 : vector<16xi32> -> vector<16xi32>
        %lt3A_324 = arith.constant 33440 : i32
        %lt3A_325 = vector.broadcast %lt3A_324 : i32 to vector<16xi32>
        %lt3A_326 = arith.cmpi ult, %bitcast_convert_type3A_323, %lt3A_325 : vector<16xi32>
        %gather3A_327 = tpu.vector_load_idx %arg7[%sub3A_322] masked %lt3A_326 : memref<33440xf32, #tpu.memory_space<vmem>>[vector<16xi32>], vector<16xf32>, vector<16xi1>
        %get3A_328 = arith.index_cast %mul3A_317 : i32 to index
        %get3A_329 = tpu.vector_load %arg9[%get3A_328] {strides = array<i32>} : memref<4096xf32, #tpu.memory_space<vmem>>, vector<16xf32>,
        %select_n3A_330 = arith.select %lt3A_326, %gather3A_327, %get3A_329 : vector<16xi1>, vector<16xf32>
        %swap3A_331 = arith.index_cast %mul3A_317 : i32 to index
        %swap3A_332 = tpu.vector_load %arg9[%swap3A_331] {strides = array<i32>} : memref<4096xf32, #tpu.memory_space<vmem>>, vector<16xf32>,
        tpu.vector_store %arg9[%swap3A_331], %select_n3A_330 {strides = array<i32>} : memref<4096xf32, #tpu.memory_space<vmem>>, vector<16xf32>,
        %mul3A_333 = arith.constant 8 : i32
        %mul3A_334 = arith.muli %scan3A_231, %mul3A_333 : i32
        %add3A_335 = arith.constant 5 : i32
        %add3A_336 = arith.addi %mul3A_334, %add3A_335 : i32
        %mul3A_337 = arith.constant 16 : i32
        %mul3A_338 = arith.muli %add3A_336, %mul3A_337 : i32
        %get3A_339 = arith.index_cast %mul3A_338 : i32 to index
        %get3A_340 = tpu.vector_load %arg8[%get3A_339] {strides = array<i32>} : memref<4096xi32, #tpu.memory_space<vmem>>, vector<16xi32>,
        %sub3A_341 = arith.constant 66560 : i32
        %sub3A_342 = vector.broadcast %sub3A_341 : i32 to vector<16xi32>
        %sub3A_343 = arith.subi %get3A_340, %sub3A_342 : vector<16xi32>
        %bitcast_convert_type3A_344 = tpu.bitcast %sub3A_343 : vector<16xi32> -> vector<16xi32>
        %lt3A_345 = arith.constant 33440 : i32
        %lt3A_346 = vector.broadcast %lt3A_345 : i32 to vector<16xi32>
        %lt3A_347 = arith.cmpi ult, %bitcast_convert_type3A_344, %lt3A_346 : vector<16xi32>
        %gather3A_348 = tpu.vector_load_idx %arg7[%sub3A_343] masked %lt3A_347 : memref<33440xf32, #tpu.memory_space<vmem>>[vector<16xi32>], vector<16xf32>, vector<16xi1>
        %get3A_349 = arith.index_cast %mul3A_338 : i32 to index
        %get3A_350 = tpu.vector_load %arg9[%get3A_349] {strides = array<i32>} : memref<4096xf32, #tpu.memory_space<vmem>>, vector<16xf32>,
        %select_n3A_351 = arith.select %lt3A_347, %gather3A_348, %get3A_350 : vector<16xi1>, vector<16xf32>
        %swap3A_352 = arith.index_cast %mul3A_338 : i32 to index
        %swap3A_353 = tpu.vector_load %arg9[%swap3A_352] {strides = array<i32>} : memref<4096xf32, #tpu.memory_space<vmem>>, vector<16xf32>,
        tpu.vector_store %arg9[%swap3A_352], %select_n3A_351 {strides = array<i32>} : memref<4096xf32, #tpu.memory_space<vmem>>, vector<16xf32>,
        %mul3A_354 = arith.constant 8 : i32
        %mul3A_355 = arith.muli %scan3A_231, %mul3A_354 : i32
        %add3A_356 = arith.constant 6 : i32
        %add3A_357 = arith.addi %mul3A_355, %add3A_356 : i32
        %mul3A_358 = arith.constant 16 : i32
        %mul3A_359 = arith.muli %add3A_357, %mul3A_358 : i32
        %get3A_360 = arith.index_cast %mul3A_359 : i32 to index
        %get3A_361 = tpu.vector_load %arg8[%get3A_360] {strides = array<i32>} : memref<4096xi32, #tpu.memory_space<vmem>>, vector<16xi32>,
        %sub3A_362 = arith.constant 66560 : i32
        %sub3A_363 = vector.broadcast %sub3A_362 : i32 to vector<16xi32>
        %sub3A_364 = arith.subi %get3A_361, %sub3A_363 : vector<16xi32>
        %bitcast_convert_type3A_365 = tpu.bitcast %sub3A_364 : vector<16xi32> -> vector<16xi32>
        %lt3A_366 = arith.constant 33440 : i32
        %lt3A_367 = vector.broadcast %lt3A_366 : i32 to vector<16xi32>
        %lt3A_368 = arith.cmpi ult, %bitcast_convert_type3A_365, %lt3A_367 : vector<16xi32>
        %gather3A_369 = tpu.vector_load_idx %arg7[%sub3A_364] masked %lt3A_368 : memref<33440xf32, #tpu.memory_space<vmem>>[vector<16xi32>], vector<16xf32>, vector<16xi1>
        %get3A_370 = arith.index_cast %mul3A_359 : i32 to index
        %get3A_371 = tpu.vector_load %arg9[%get3A_370] {strides = array<i32>} : memref<4096xf32, #tpu.memory_space<vmem>>, vector<16xf32>,
        %select_n3A_372 = arith.select %lt3A_368, %gather3A_369, %get3A_371 : vector<16xi1>, vector<16xf32>
        %swap3A_373 = arith.index_cast %mul3A_359 : i32 to index
        %swap3A_374 = tpu.vector_load %arg9[%swap3A_373] {strides = array<i32>} : memref<4096xf32, #tpu.memory_space<vmem>>, vector<16xf32>,
        tpu.vector_store %arg9[%swap3A_373], %select_n3A_372 {strides = array<i32>} : memref<4096xf32, #tpu.memory_space<vmem>>, vector<16xf32>,
        %mul3A_375 = arith.constant 8 : i32
        %mul3A_376 = arith.muli %scan3A_231, %mul3A_375 : i32
        %add3A_377 = arith.constant 7 : i32
        %add3A_378 = arith.addi %mul3A_376, %add3A_377 : i32
        %mul3A_379 = arith.constant 16 : i32
        %mul3A_380 = arith.muli %add3A_378, %mul3A_379 : i32
        %get3A_381 = arith.index_cast %mul3A_380 : i32 to index
        %get3A_382 = tpu.vector_load %arg8[%get3A_381] {strides = array<i32>} : memref<4096xi32, #tpu.memory_space<vmem>>, vector<16xi32>,
        %sub3A_383 = arith.constant 66560 : i32
        %sub3A_384 = vector.broadcast %sub3A_383 : i32 to vector<16xi32>
        %sub3A_385 = arith.subi %get3A_382, %sub3A_384 : vector<16xi32>
        %bitcast_convert_type3A_386 = tpu.bitcast %sub3A_385 : vector<16xi32> -> vector<16xi32>
        %lt3A_387 = arith.constant 33440 : i32
        %lt3A_388 = vector.broadcast %lt3A_387 : i32 to vector<16xi32>
        %lt3A_389 = arith.cmpi ult, %bitcast_convert_type3A_386, %lt3A_388 : vector<16xi32>
        %gather3A_390 = tpu.vector_load_idx %arg7[%sub3A_385] masked %lt3A_389 : memref<33440xf32, #tpu.memory_space<vmem>>[vector<16xi32>], vector<16xf32>, vector<16xi1>
        %get3A_391 = arith.index_cast %mul3A_380 : i32 to index
        %get3A_392 = tpu.vector_load %arg9[%get3A_391] {strides = array<i32>} : memref<4096xf32, #tpu.memory_space<vmem>>, vector<16xf32>,
        %select_n3A_393 = arith.select %lt3A_389, %gather3A_390, %get3A_392 : vector<16xi1>, vector<16xf32>
        %swap3A_394 = arith.index_cast %mul3A_380 : i32 to index
        %swap3A_395 = tpu.vector_load %arg9[%swap3A_394] {strides = array<i32>} : memref<4096xf32, #tpu.memory_space<vmem>>, vector<16xf32>,
        tpu.vector_store %arg9[%swap3A_394], %select_n3A_393 {strides = array<i32>} : memref<4096xf32, #tpu.memory_space<vmem>>, vector<16xf32>,
      }
      %scan3A_225 = arith.constant 32 : i32
      %lt3A_226 = arith.constant 25 : i32
      %lt3A_227 = arith.cmpi slt, %scan3A_136, %lt3A_226 : i32
      %convert_element_type3A_228 = arith.extui %lt3A_227 : i1 to i32
      %cond3A_229 = arith.constant 0 : i32
      %cond3A_230 = arith.cmpi ne, %convert_element_type3A_228, %cond3A_229 : i32
      scf.if %cond3A_230 {
        %add3A_231 = arith.constant 1 : i32
        %add3A_232 = arith.addi %add3A_138, %add3A_231 : i32
        %jit3A_233 = arith.constant 32 : i32
        %div3A_234 = arith.divsi %add3A_232, %jit3A_233 : i32
        %sign3A_235 = arith.constant 0 : i32
        %sign3A_236 = arith.cmpi sgt, %add3A_232, %sign3A_235 : i32
        %sign3A_237 = arith.extui %sign3A_236 : i1 to i32
        %sign3A_238 = arith.constant 0 : i32
        %sign3A_239 = arith.cmpi slt, %add3A_232, %sign3A_238 : i32
        %sign3A_240 = arith.extui %sign3A_239 : i1 to i32
        %sign3A_241 = arith.subi %sign3A_237, %sign3A_240 : i32
        %sign3A_242 = arith.constant 0 : i32
        %sign3A_243 = arith.cmpi sgt, %jit3A_233, %sign3A_242 : i32
        %sign3A_244 = arith.extui %sign3A_243 : i1 to i32
        %sign3A_245 = arith.constant 0 : i32
        %sign3A_246 = arith.cmpi slt, %jit3A_233, %sign3A_245 : i32
        %sign3A_247 = arith.extui %sign3A_246 : i1 to i32
        %sign3A_248 = arith.subi %sign3A_244, %sign3A_247 : i32
        %ne3A_249 = arith.cmpi ne, %sign3A_241, %sign3A_248 : i32
        %rem3A_250 = arith.remsi %add3A_232, %jit3A_233 : i32
        %ne3A_251 = arith.constant 0 : i32
        %ne3A_252 = arith.cmpi ne, %rem3A_250, %ne3A_251 : i32
        %and3A_253 = arith.andi %ne3A_249, %ne3A_252 : i1
        %sub3A_254 = arith.constant 1 : i32
        %sub3A_255 = arith.subi %div3A_234, %sub3A_254 : i32
        %select_n3A_256 = arith.select %and3A_253, %sub3A_255, %div3A_234 : i32
        %jit3A_257 = arith.constant 32 : i32
        %eq3A_258 = arith.constant 0 : i32
        %eq3A_259 = arith.cmpi eq, %jit3A_257, %eq3A_258 : i32
        %jit3A_260 = arith.constant 1 : i32
        %select_n3A_261 = arith.select %eq3A_259, %jit3A_260, %jit3A_257 : i32
        %rem3A_262 = arith.remsi %add3A_232, %select_n3A_261 : i32
        %ne3A_263 = arith.constant 0 : i32
        %ne3A_264 = arith.cmpi ne, %rem3A_262, %ne3A_263 : i32
        %lt3A_265 = arith.constant 0 : i32
        %lt3A_266 = arith.cmpi slt, %rem3A_262, %lt3A_265 : i32
        %lt3A_267 = arith.constant 0 : i32
        %lt3A_268 = arith.cmpi slt, %select_n3A_261, %lt3A_267 : i32
        %ne3A_269 = arith.xori %lt3A_266, %lt3A_268 : i1
        %and3A_270 = arith.andi %ne3A_269, %ne3A_264 : i1
        %add3A_271 = arith.addi %rem3A_262, %select_n3A_261 : i32
        %select_n3A_272 = arith.select %and3A_270, %add3A_271, %rem3A_262 : i32
        %dma_start3A_273 = arith.constant 66560 : i32
        %dma_start3A_274 = tpu.memref_slice %arg3[%select_n3A_256, %select_n3A_272, %dma_start3A_273] : memref<26x32x100000xf32, #tpu.memory_space<hbm>> -> memref<1x1x33440xf32, #tpu.memory_space<hbm>>
        %dma_start3A_275 = tpu.memref_squeeze %dma_start3A_274 : memref<1x1x33440xf32, #tpu.memory_space<hbm>> -> memref<33440xf32, #tpu.memory_space<hbm>>
        %dma_start3A_276 = arith.constant 66560 : i32
        %dma_start3A_277 = tpu.memref_slice %arg3[%select_n3A_256, %select_n3A_272, %dma_start3A_276] : memref<26x32x100000xf32, #tpu.memory_space<hbm>> -> memref<1x1x33440xf32, #tpu.memory_space<hbm>>
        %dma_start3A_278 = tpu.memref_squeeze %dma_start3A_277 : memref<1x1x33440xf32, #tpu.memory_space<hbm>> -> memref<33440xf32, #tpu.memory_space<hbm>>
        tpu.enqueue_dma source(%dma_start3A_278 : memref<33440xf32, #tpu.memory_space<hbm>>) target(%arg7 : memref<33440xf32, #tpu.memory_space<vmem>>) target_semaphore(%arg12 : memref<!tpu.dma_semaphore, #tpu.memory_space<semaphore_mem>>)
      } else {
      }
      "tpu.region"() ({
        %run_scoped3A = tpu.sem_alloc : memref<!tpu.dma_semaphore, #tpu.memory_space<semaphore_mem>>
        %dma_start3A_231 = arith.constant 0 : i32
        %dma_start3A_232 = tpu.memref_slice %arg4[%add3A_138, %dma_start3A_231] : memref<832x4096xf32, #tpu.memory_space<hbm>> -> memref<1x4096xf32, #tpu.memory_space<hbm>>
        %dma_start3A_233 = tpu.memref_squeeze %dma_start3A_232 : memref<1x4096xf32, #tpu.memory_space<hbm>> -> memref<4096xf32, #tpu.memory_space<hbm>>
        %dma_start3A_234 = arith.constant 0 : i32
        %dma_start3A_235 = tpu.memref_slice %arg4[%add3A_138, %dma_start3A_234] : memref<832x4096xf32, #tpu.memory_space<hbm>> -> memref<1x4096xf32, #tpu.memory_space<hbm>>
        %dma_start3A_236 = tpu.memref_squeeze %dma_start3A_235 : memref<1x4096xf32, #tpu.memory_space<hbm>> -> memref<4096xf32, #tpu.memory_space<hbm>>
        tpu.enqueue_dma source(%arg9 : memref<4096xf32, #tpu.memory_space<vmem>>) target(%dma_start3A_236 : memref<4096xf32, #tpu.memory_space<hbm>>) target_semaphore(%run_scoped3A : memref<!tpu.dma_semaphore, #tpu.memory_space<semaphore_mem>>)
        %dma_wait3A_237 = arith.constant 0 : i32
        %dma_wait3A_238 = tpu.memref_slice %arg4[%add3A_138, %dma_wait3A_237] : memref<832x4096xf32, #tpu.memory_space<hbm>> -> memref<1x4096xf32, #tpu.memory_space<hbm>>
        %dma_wait3A_239 = tpu.memref_squeeze %dma_wait3A_238 : memref<1x4096xf32, #tpu.memory_space<hbm>> -> memref<4096xf32, #tpu.memory_space<hbm>>
        %dma_wait3A_240 = arith.constant 0 : i32
        %dma_wait3A_241 = tpu.memref_slice %arg4[%add3A_138, %dma_wait3A_240] : memref<832x4096xf32, #tpu.memory_space<hbm>> -> memref<1x4096xf32, #tpu.memory_space<hbm>>
        %dma_wait3A_242 = tpu.memref_squeeze %dma_wait3A_241 : memref<1x4096xf32, #tpu.memory_space<hbm>> -> memref<4096xf32, #tpu.memory_space<hbm>>
        tpu.wait_dma2 semaphore(%run_scoped3A : memref<!tpu.dma_semaphore, #tpu.memory_space<semaphore_mem>>) src(%arg9 : memref<4096xf32, #tpu.memory_space<vmem>>) dst(%dma_wait3A_242 : memref<4096xf32, #tpu.memory_space<hbm>>)
        tpu.yield
      }) : () -> ()
      scf.yield %select_n3A_162 : i32
    }
    %scan3A_135 = arith.constant 26 : i32
    return
  }
}

</mosaic_0001>

<sc_bundles>
// kernel: kernel.3.cloned.1.call-start
scs
__scs_entry_jumppad:
0x0: {  	(pc) =	sbr.rel $0x88, $3  }
0x1: {  	(tag) =	ssettag $0x0;
	lr =	simm.s32 $0x1  }
0x2: {  	[smem:$0x3F9F] =	sst lr;
	_ =	strace $0xD0000000  }
0x3: {  	_ = 	snop  }
0x4: {  	_ = 	snop  }
0x5: {  	_ = 	snop  }
0x6: {  	_ = 	snop  }
0x7: {  	_ = 	snop  }
__scs_overlays_trampoline_lowered:
0x8: {  	[smem:$0x3FAE] =	sst s0  }
0x9: {  	[smem:$0x3FAF] =	sst s1  }
0xa: {  	[smem:$0x3FB0] =	sst s2  }
0xb: {  	[smem:$0x3FB1] =	sst s3  }
0xc: {  	[smem:$0x3FB2] =	sst s4  }
0xd: {  	[smem:$0x3FB3] =	sst s5  }
0xe: {  	[smem:$0x3FB4] =	sst s6  }
0xf: {  	[smem:$0x3FB5] =	sst s7  }
0x10: {  	[smem:$0x3FB6] =	sst s8  }
0x11: {  	[smem:$0x3FB7] =	sst s9;
	s0 =	simm.s32 @!p0 $0x0  }
0x12: {  	s1 =	sld [smem:$0x3F9D];
	s0 =	simm.s32 @p0 $0x1  }
0x13: {  	[smem:$0x3FB8] =	sst s0;
	s0 =	simm.s32 @!p1 $0x0  }
0x14: {  	s2 =	sld [smem:$0x3F9C];
	s0 =	simm.s32 @p1 $0x1  }
0x15: {  	[smem:$0x3FB9] =	sst s0;
	s0 =	simm.s32 @!p2 $0x0  }
0x16: {  	s3 =	sld [smem:$0x3FDB];
	s0 =	simm.s32 @p2 $0x1  }
0x17: {  	s4 =	simm.s32 $0x1BF5;
	[smem:$0x3FBB] =	sst s0  }
0x18: {  	s0 =	sld [smem:$0x3F9E];
	_ =	swait.ge [sflag:s4], $0x0  }
0x19: {  	s7 =	sld [smem:$0x3F9F]  }
0x1a: {  	s8 =	sadd.s32 $0xFFFFE003, lr  }
0x1b: {  	s9 =	sadd.s32 $0xFFFFFEF7, lr;
	s5 =	simm.s32 $0xFFFFFFFF;
	p2 =	slt.u32 s8, $0xFFFFF086  }
0x1c: {  	p1 =	slt.u32 s9, $0xF7A;
	s5 =	simm.s32 @!p2 $0x0  }
0x1d: {  	s5 =	simm.s32 @p1 $0x1;
	p0 =	seq.s32 s7, s2  }
0x1e: {  	s7 =	smul.u32 @!p0 $0xF7A, s2;
	p2 =	seq.s32 @!p0 s5, $0x0  }
0x1f: {  	s9 =	smul.u32 $0xF7A, s1;
	s8 =	simm.s32 @!p0 $0x1BF5;
	p2 =	por !p2, p0  }
0x20: {  	[sflag:s8] =	ssyncset.s32 @!p0 $0xFFFFF086;
	s6 =	sadd.s32 @!p0 s3, s7;
	s7 =	simm.s32 @!p0 $0x108  }
0x21: {  	s3 =	sadd.s32 s3, s9;
	s6 =	sadd.s32 @!p0 $0x88, s6;
	s7 =	simm.s32 @p2 $0x1082  }
0x22: {  	[simem:s7], [sflag:s8] =	dma.local @!p0 [hbm:s6], $0xF7A  }
0x23: {  	s9 =	sor.u32 $0xD0000000, s2;
	s6 =	simm.s32 $0x108;
	_ =	swait.ge @!p0 [sflag:s8], $0x0  }
0x24: {  	s3 =	sadd.s32 $0x88, s3;
	s6 =	simm.s32 @!p1 $0x1082;
	[sflag:s4] =	ssyncset.s32 $0xFFFFF086  }
0x25: {  	[simem:s6], [sflag:s4] =	dma.local [hbm:s3], $0xF7A  }
0x26: {  	[smem:$0x3F9F] =	sst s1;
	(tag) =	ssettag s2;
	_ =	strace s9  }
0x27: {  	s1 =	sld [smem:$0x3FAF]  }
0x28: {  	s2 =	sld [smem:$0x3FB0]  }
0x29: {  	s4 =	sld [smem:$0x3FB2]  }
0x2a: {  	p0 =	seq.s32 s5, $0x0;
	s5 =	sld [smem:$0x3FB3]  }
0x2b: {  	s6 =	sld [smem:$0x3FB4]  }
0x2c: {  	s7 =	sld [smem:$0x3FB5]  }
0x2d: {  	s3 =	simm.s32 $0x108;
	s8 =	sld [smem:$0x3FB6]  }
0x2e: {  	s3 =	simm.s32 @!p0 $0x1082;
	s9 =	sld [smem:$0x3FB7]  }
0x2f: {  	lr =	sadd.s32 s0, s3;
	s0 =	sld [smem:$0x3FAE]  }
0x30: {  	s3 =	sld [smem:$0x3FB1]  }
0x31: {  	[smem:$0x3FBA] =	sst s10  }
0x32: {  	s10 =	sld [smem:$0x3FB8];
	_ =	sdelay $0x3  }
0x33: {  	p0 =	seq.s32 s10, $0x1;
	s10 =	sld [smem:$0x3FBA];
	_ =	sdelay $0x3  }
0x34: {  	[smem:$0x3FBA] =	sst s10  }
0x35: {  	s10 =	sld [smem:$0x3FB9];
	_ =	sdelay $0x3  }
0x36: {  	p1 =	seq.s32 s10, $0x1;
	s10 =	sld [smem:$0x3FBA];
	_ =	sdelay $0x3  }
0x37: {  	[smem:$0x3FBA] =	sst s10  }
0x38: {  	s10 =	sld [smem:$0x3FBB]  }
0x39: {  	_ = 	snop;
	(pc) =	sbr.ind lr, $3  }
0x3a: {  	_ = 	snop  }
0x3b: {  	_ = 	snop  }
0x3c: {  	p2 =	seq.s32 s10, $0x1;
	s10 =	sld [smem:$0x3FBA]  }
0x3d: {  	_ =	shalt  }
0x3e: {  	_ =	shalt  }
0x3f: {  	_ =	shalt  }
0x40: {  	_ =	shalt  }
0x41: {  	_ =	shalt  }
0x42: {  	_ =	shalt  }
0x43: {  	_ =	shalt  }
0x44: {  	_ =	shalt  }
0x45: {  	_ =	shalt  }
0x46: {  	_ =	shalt  }
0x47: {  	_ =	shalt  }
0x48: {  	_ =	shalt  }
0x49: {  	_ =	shalt  }
0x4a: {  	_ =	shalt  }
0x4b: {  	_ =	shalt  }
0x4c: {  	_ =	shalt  }
0x4d: {  	_ =	shalt  }
0x4e: {  	_ =	shalt  }
0x4f: {  	_ =	shalt  }
0x50: {  	_ =	shalt  }
0x51: {  	_ =	shalt  }
0x52: {  	_ =	shalt  }
0x53: {  	_ =	shalt  }
0x54: {  	_ =	shalt  }
0x55: {  	_ =	shalt  }
0x56: {  	_ =	shalt  }
0x57: {  	_ =	shalt  }
0x58: {  	_ =	shalt  }
0x59: {  	_ =	shalt  }
0x5a: {  	_ =	shalt  }
0x5b: {  	_ =	shalt  }
0x5c: {  	_ =	shalt  }
0x5d: {  	_ =	shalt  }
0x5e: {  	_ =	shalt  }
0x5f: {  	_ =	shalt  }
0x60: {  	_ =	shalt  }
0x61: {  	_ =	shalt  }
0x62: {  	_ =	shalt  }
0x63: {  	_ =	shalt  }
0x64: {  	_ =	shalt  }
0x65: {  	_ =	shalt  }
0x66: {  	_ =	shalt  }
0x67: {  	_ =	shalt  }
0x68: {  	_ =	shalt  }
0x69: {  	_ =	shalt  }
0x6a: {  	_ =	shalt  }
0x6b: {  	_ =	shalt  }
0x6c: {  	_ =	shalt  }
0x6d: {  	_ =	shalt  }
0x6e: {  	_ =	shalt  }
0x6f: {  	_ =	shalt  }
0x70: {  	_ =	shalt  }
0x71: {  	_ =	shalt  }
0x72: {  	_ =	shalt  }
0x73: {  	_ =	shalt  }
0x74: {  	_ =	shalt  }
0x75: {  	_ =	shalt  }
0x76: {  	_ =	shalt  }
0x77: {  	_ =	shalt  }
0x78: {  	_ =	shalt  }
0x79: {  	_ =	shalt  }
0x7a: {  	_ =	shalt  }
0x7b: {  	_ =	shalt  }
0x7c: {  	_ =	shalt  }
0x7d: {  	_ =	shalt  }
0x7e: {  	_ =	shalt  }
0x7f: {  	_ =	shalt  }
0x80: {  	_ =	shalt  }
0x81: {  	_ =	shalt  }
0x82: {  	_ =	shalt  }
0x83: {  	_ =	shalt  }
0x84: {  	_ =	shalt  }
0x85: {  	_ =	shalt  }
0x86: {  	_ =	shalt  }
0x87: {  	_ =	shalt  }
.Lfunc_end0:
.L_simem_size_0:
called_computation_lowered:
.L_overlay_start_0:
0x88: {  	s2 =	sld [smem:$0x3FD9]  }
0x89: {  	s3 =	sld [smem:$0x3FFE];
	_ =	sdelay $0x1  }
0x8a: {  	s1 =	srdreg.scid  }
0x8b: {  	s0 =	sand.u32 $0x1, s1  }
0x8c: {  	s18 =	sshll.u32 s0, $0xA;
	s2 =	sadd.s32 s3, s2  }
0x8d: {  	s2 =	sadd.s32 s2, s18  }
0x8e: {  	[smem:$0x3FC6] =	sst s2  }
0x8f: {  	_ = 	snop  }
0x90: {  	s2 =	sld [smem:$0x3FC9]  }
0x91: {  	s19 =	sld [smem:$0x3FC8]  }
0x92: {  	s4 =	sld [smem:$0x3FD0];
	(tm) =	ssettm $0x1  }
0x93: {  	s5 =	sld [smem:$0x3FFB];
	_ =	sdelay $0x3  }
0x94: {  	_ =	strace s5  }
0x95: {  	s5 =	sld [smem:$0x3FFC];
	_ =	sdelay $0x3  }
0x96: {  	_ =	strace s5  }
0x97: {  	s5 =	sld [smem:$0x3FFD];
	_ =	sdelay $0x3  }
0x98: {  	_ =	strace s5  }
0x99: {  	_ =	strace $0x8FFFFFFF  }
0x9a: {  	s20 =	sld [smem:$0x3FDB];
	_ =	sdelay $0x1  }
0x9b: {  	s6 =	simm.s32 $_scs_section_size  }
0x9c: {  	s7 =	simm.s32 $_size__tile_overlayer_lowered;
	s8 =	simm.s32 $_tile_overlayer_lowered  }
0x9d: {  	s23 =	simm.s32 $0x1BFF;
	s22 =	sshll.u32 s8, $0x1;
	s5 =	sadd.s32 s6, s20  }
0x9e: {  	s9 =	simm.s32 $0x0;
	s21 =	sshll.u32 s7, $0x1;
	s7 =	sadd.s32 s22, s5  }
0x9f: {  	[timem:s9], [sflag:s23] =	dma.local [hbm:s7], s21  }
0xa0: {  	_ =	swait.ge [sflag:s23], s21  }
0xa1: {  	s6 =	ssub.s32 $0x0, s21;
	[sflag:s23] =	ssyncset.done $0x0  }
0xa2: {  	[sflag:s23] =	ssyncadd.s32 s6;
	_ =	sdelay $0x1  }
0xa3: {  	s24 =	simm.s32 $0x1B8B  }
0xa4: {  	_ =	swait.ge [sflag:s24], $0x1  }
0xa5: {  	[sflag:s24] =	ssyncset.done $0x0  }
0xa6: {  	s25 =	simm.s32 $0x1B8E;
	[sflag:s24] =	ssyncadd.s32 $0xFFFFFFFF  }
0xa7: {  	s26 =	simm.s32 $execute0_lowered;
	[smem:$0x3FD2] =	sst s25  }
0xa8: {  	s6 =	sshll.u32 s26, $0x1;
	_ =	strace $0x80000046;
	[dreg:$0x1] =	wrdreg $0xFFFFFFFF  }
0xa9: {  	s28 =	simm.s32 $_size_execute0_lowered;
	s5 =	sadd.s32 s5, s6;
	[dreg:$0x0] =	wrdreg $0x0  }
0xaa: {  	s6 =	sshll.u32 s28, $0x1;
	[dreg:$0x2] =	wrdreg s5  }
0xab: {  	[dreg:$0x3] =	wrdreg s6  }
0xac: {  	[dreg:$0x4] =	wrdreg $0xC0  }
0xad: {  	_ =	task [dreg:s9], $0x5FFFF  }
0xae: {  	[dreg:$0x1] =	wrdreg $0xFFFFFFFF  }
0xaf: {  	[dreg:$0x0] =	wrdreg $0x60  }
0xb0: {  	[dreg:$0x2] =	wrdreg s2  }
0xb1: {  	[dreg:$0x3] =	wrdreg s19  }
0xb2: {  	[dreg:$0x4] =	wrdreg s4  }
0xb3: {  	[dreg:$0x5] =	wrdreg $0x9  }
0xb4: {  	_ =	task.clear_ibuf [dreg:s9], $0x6FFFF;
	_ =	strace $0x90000046  }
0xb5: {  	s29 =	simm.s32 $0x9;
	_ =	strace $0x80000048  }
0xb6: {  	_ =	swait.ge [sflag:s29], $0x1  }
0xb7: {  	[sflag:s29] =	ssyncadd.s32 $0xFFFFFFFF  }
0xb8: {  	_ =	strace $0x90000048  }
0xb9: {  	_ =	sfence  }
0xba: {  	s30 =	sld [smem:$0x0];
	_ =	sdelay $0x2  }
0xbb: {  	s31 =	sshll.u32 s1, $0xD;
	s1 =	sshrl.u32 s1, $0x2  }
0xbc: {  	s3 =	sand.u32 $0x4000, s31;
	s1 =	sadd.s32 s1, s30  }
0xbd: {  	s0 =	sor.u32 s3, s0;
	s1 =	sshll.u32 s1, $0x11  }
0xbe: {  	s0 =	sor.u32 s1, s0  }
0xbf: {  	s0 =	sadd.s32 $0x8F2B, s0  }
0xc0: {  	[sflag:s0] =	ssyncadd.remote.s32 $0x1  }
0xc1: {  	_ =	sfence.sel $0xFFFF  }
0xc2: {  	[dreg:$0x0] =	wrdreg $0xFFFFFFFF;
	(pc) =	sbr.abs _section_cstart, $3  }
0xc3: {  	[dreg:$0x1] =	wrdreg $0xFFFFFFFF  }
0xc4: {  	_ =	task.clear_ibuf [dreg:s9], $0x2FFFF;
	_ =	strace $0x9FFFFFFF  }
0xc5: {  	(tm) =	ssettm $0x7FFFFFFF  }
tec
execute0_lowered:
.L_overlay_start_1:
0x0: {  	(tag) =	ssettag $0x1  }
0x1: {  	s1 =	srdreg.scid;
	s0 =	stileid.u32  }
0x2: {  	s2 =	rddreg [dreg:$0x0];
	s7 =	sand.u32 $0x1, s1;
	s26 =	sshll.u32 s0, $0x1  }
0x3: {  	s4 =	rddreg [dreg:$0x1];
	s13 =	simm.s32 $0x8200;
	s1 =	sor.u32 s7, s26  }
0x4: {  	s14 =	simm.s32 $0x10400;
	s15 =	simm.s32 $0x1;
	s1 =	smul.u32 $0x1A, s1  }
0x5: {  	s16 =	simm.s32 $0x2;
	s17 =	simm.s32 $0x3;
	s18 =	simm.s32 $0x19700  }
0x6: {  	s19 =	simm.s32 $0x4;
	s3 =	sshrl.u32 s1, $0x5;
	s5 =	sand.u32 $0x18, s1  }
0x7: {  	s20 =	simm.s32 $0x0;
	s6 =	sshrl.u32 s5, $0x3;
	s8 =	smul.u32 $0x30E000, s3  }
0x8: {  	s7 =	ssub.s32 $0x2, s7;
	s5 =	rddreg [dreg:$0x2];
	s9 =	smul.u32 $0xC3800, s6  }
0x9: {  	s29 =	sshrl.u32 s7, $0x1;
	s10 =	sshll.u32 s1, $0x7;
	s3 =	rddreg [dreg:$0x3]  }
0xa: {  	s28 =	sand.u32 $0x300, s10;
	s6 =	simm.s32 $0x0;
	s8 =	sadd.s32 s8, s9  }
0xb: {  	s10 =	ssub.s32 s7, s29;
	[smem:$0x7FF] =	sst s6;
	s8 =	sor.u32 s28, s8  }
0xc: {  	s10 =	smax.u32 s10, $0x1;
	_ =	strace $0x80000047;
	s30 =	sadd.s32 $0x41000, s8  }
0xd: {  	s9 =	sshrl.u32 s8, $0x3;
	s12 =	sadd.s32 $0x82000, s8;
	s11 =	sshrl.u32 s30, $0x3  }
0xe: {  	s7 =	sadd.s32 s4, s9;
	s31 =	sshrl.u32 s12, $0x3;
	s12 =	simm.s32 $0x400  }
0xf: {  	s8 =	sadd.s32 s4, s11;
	s9 =	sadd.s32 s4, s31;
	s11 =	simm.s32 $0x80  }
.LBB2_1:
0x10: {  	[tilespmem:s6], [sflag:$0x1] =	stream.strided.gather [hbm4b:s7+s11], $0x8200, s12, s11, $0x38;
	[tilespmem:$0x1A700] =	vst v63  }
0x11: {  	_ = 	snop  }
0x12: {  	[tilespmem:s13], [sflag:$0x2] =	stream.strided.gather [hbm4b:s8+s11], $0x8200, s12, s11, $0x38;
	[tilespmem:$0x1A700] =	vst v63  }
0x13: {  	s22 =	simm.s32 $0xFFFFFFFF;
	s21 =	simm.s32 $0x0  }
0x14: {  	[tilespmem:s14], [sflag:$0x3] =	stream.strided.gather [hbm4b:s9+s11], $0x8300, s12, s11, $0x38;
	[tilespmem:$0x1A700] =	vst v63  }
.LBB2_2:
0x15: {  	s23 =	sadd.s32 s1, s21  }
0x16: {  	s24 =	smov.u32 s22;
	s22 =	sshrl.u32 s23, $0x5  }
0x17: {  	p0 =	seq.s32 s22, s24  }
0x18: {  	s24 =	sshll.u32 @!p0 s22, $0x4  }
0x19: {  	s25 =	sshll.u32 @!p0 s22, $0x9;
	s24 =	sand.u32 @!p0 $0x70, s24  }
0x1a: {  	s26 =	simm.s32 @!p0 $0x400;
	s25 =	sand.u32 @!p0 $0xFFFF000, s25;
	s24 =	sadd.s32 @!p0 s2, s24  }
0x1b: {  	s28 =	simm.s32 @!p0 $0x18700;
	s24 =	sadd.s32 @!p0 s25, s24;
	s25 =	simm.s32 @!p0 $0x80  }
0x1c: {  	[tilespmem:s28], [sflag:$0x4] =	stream.strided.gather @!p0 [hbm4b:s24+s25], $0x1000, s26, s25, $0x38;
	[tilespmem:$0x1A700] =	vst v63  }
0x1d: {  	s24 =	simm.s32 @!p0 $0x4  }
0x1e: {  	_ =	swait.ge @!p0 [sflag:s24], $0x1000  }
0x1f: {  	[sflag:s24] =	ssyncset.done @!p0 $0x0  }
0x20: {  	[sflag:s24] =	ssyncadd.s32 @!p0 $0xFFFFF000  }
0x21: {  	_ =	swait.ge [sflag:s15], $0x8200  }
0x22: {  	[sflag:s15] =	ssyncset.done $0x0  }
0x23: {  	s24 =	simm.s32 $0x0;
	[sflag:s15] =	ssyncadd.s32 $0xFFFF7E00  }
0x24: {  	v0 =	vld [tilespmem:s24+$0x18700];
	_ =	sdelay $0x4  }
0x25: {  	vm0 =	vlt.u32 v0, $0x8200;
	_ =	sdelay $0x1  }
0x26: {  	v1 =	vld [tilespmem:s24+$0x18710];
	_ =	sdelay $0x3  }
0x27: {  	v0 =	vld.idx.msk [tilespmem:v0+s6+$0x0], vm0  }
0x28: {  	vm1 =	vlt.u32 v1, $0x8200;
	_ =	sdelay $0x1  }
0x29: {  	v2 =	vld [tilespmem:s24+$0x18720];
	_ =	sdelay $0x1  }
0x2a: {  	v0 =	vnsel vm0, $0x0, v0  }
0x2b: {  	[tilespmem:s24+$0x19700] =	vst v0  }
0x2c: {  	v0 =	vld.idx.msk [tilespmem:v1+s6+$0x0], vm1  }
0x2d: {  	vm0 =	vlt.u32 v2, $0x8200;
	_ =	sdelay $0x1  }
0x2e: {  	v1 =	vld [tilespmem:s24+$0x18730];
	_ =	sdelay $0x1  }
0x2f: {  	v0 =	vnsel vm1, $0x0, v0  }
0x30: {  	[tilespmem:s24+$0x19710] =	vst v0  }
0x31: {  	v0 =	vld.idx.msk [tilespmem:v2+s6+$0x0], vm0  }
0x32: {  	vm1 =	vlt.u32 v1, $0x8200;
	_ =	sdelay $0x1  }
0x33: {  	v2 =	vld [tilespmem:s24+$0x18740];
	_ =	sdelay $0x1  }
0x34: {  	v0 =	vnsel vm0, $0x0, v0  }
0x35: {  	[tilespmem:s24+$0x19720] =	vst v0  }
0x36: {  	v0 =	vld.idx.msk [tilespmem:v1+s6+$0x0], vm1  }
0x37: {  	vm0 =	vlt.u32 v2, $0x8200;
	_ =	sdelay $0x1  }
0x38: {  	v1 =	vld [tilespmem:s24+$0x18750];
	_ =	sdelay $0x1  }
0x39: {  	v0 =	vnsel vm1, $0x0, v0  }
0x3a: {  	[tilespmem:s24+$0x19730] =	vst v0  }
0x3b: {  	v0 =	vld.idx.msk [tilespmem:v2+s6+$0x0], vm0  }
0x3c: {  	vm1 =	vlt.u32 v1, $0x8200;
	_ =	sdelay $0x1  }
0x3d: {  	v2 =	vld [tilespmem:s24+$0x18760];
	_ =	sdelay $0x1  }
0x3e: {  	v0 =	vnsel vm0, $0x0, v0  }
0x3f: {  	[tilespmem:s24+$0x19740] =	vst v0  }
0x40: {  	v1 =	vld.idx.msk [tilespmem:v1+s6+$0x0], vm1  }
0x41: {  	vm0 =	vlt.u32 v2, $0x8200;
	_ =	sdelay $0x1  }
0x42: {  	v0 =	vld [tilespmem:s24+$0x18770];
	_ =	sdelay $0x1  }
0x43: {  	v1 =	vnsel vm1, $0x0, v1  }
0x44: {  	[tilespmem:s24+$0x19750] =	vst v1  }
0x45: {  	v1 =	vld.idx.msk [tilespmem:v2+s6+$0x0], vm0  }
0x46: {  	vm1 =	vlt.u32 v0, $0x8200;
	_ =	sdelay $0x1  }
0x47: {  	s28 =	simm.s32 $0x80;
	s25 =	simm.s32 $0x400  }
.LBB2_3:
0x48: {  	p0 =	sne.s32 s25, $0x3E00;
	v2 =	vld [tilespmem:s28+$0x18700]  }
0x49: {  	v1 =	vnsel vm0, $0x0, v1  }
0x4a: {  	[tilespmem:s24+$0x19760] =	vst v1  }
0x4b: {  	v0 =	vld.idx.msk [tilespmem:v0+s6+$0x0], vm1;
	_ =	sdelay $0x1  }
0x4c: {  	vm0 =	vlt.u32 v2, $0x8200;
	_ =	sdelay $0x2  }
0x4d: {  	v1 =	vld [tilespmem:s28+$0x18710]  }
0x4e: {  	v0 =	vnsel vm1, $0x0, v0  }
0x4f: {  	[tilespmem:s24+$0x19770] =	vst v0;
	s24 =	smov.u32 s28  }
0x50: {  	v0 =	vld.idx.msk [tilespmem:v2+s6+$0x0], vm0;
	_ =	sdelay $0x1  }
0x51: {  	vm1 =	vlt.u32 v1, $0x8200;
	_ =	sdelay $0x2  }
0x52: {  	v2 =	vld [tilespmem:s24+$0x18720]  }
0x53: {  	v0 =	vnsel vm0, $0x0, v0  }
0x54: {  	[tilespmem:s24+$0x19700] =	vst v0  }
0x55: {  	v0 =	vld.idx.msk [tilespmem:v1+s6+$0x0], vm1;
	_ =	sdelay $0x1  }
0x56: {  	vm0 =	vlt.u32 v2, $0x8200;
	_ =	sdelay $0x2  }
0x57: {  	v1 =	vld [tilespmem:s24+$0x18730]  }
0x58: {  	v0 =	vnsel vm1, $0x0, v0  }
0x59: {  	[tilespmem:s24+$0x19710] =	vst v0  }
0x5a: {  	v0 =	vld.idx.msk [tilespmem:v2+s6+$0x0], vm0;
	_ =	sdelay $0x1  }
0x5b: {  	vm1 =	vlt.u32 v1, $0x8200;
	_ =	sdelay $0x2  }
0x5c: {  	v2 =	vld [tilespmem:s24+$0x18740]  }
0x5d: {  	v0 =	vnsel vm0, $0x0, v0  }
0x5e: {  	[tilespmem:s24+$0x19720] =	vst v0  }
0x5f: {  	v0 =	vld.idx.msk [tilespmem:v1+s6+$0x0], vm1;
	_ =	sdelay $0x1  }
0x60: {  	vm0 =	vlt.u32 v2, $0x8200;
	_ =	sdelay $0x2  }
0x61: {  	v1 =	vld [tilespmem:s24+$0x18750]  }
0x62: {  	v0 =	vnsel vm1, $0x0, v0  }
0x63: {  	[tilespmem:s24+$0x19730] =	vst v0  }
0x64: {  	v0 =	vld.idx.msk [tilespmem:v2+s6+$0x0], vm0;
	_ =	sdelay $0x1  }
0x65: {  	vm1 =	vlt.u32 v1, $0x8200;
	_ =	sdelay $0x2  }
0x66: {  	v2 =	vld [tilespmem:s24+$0x18760]  }
0x67: {  	v0 =	vnsel vm0, $0x0, v0  }
0x68: {  	[tilespmem:s24+$0x19740] =	vst v0  }
0x69: {  	v1 =	vld.idx.msk [tilespmem:v1+s6+$0x0], vm1;
	_ =	sdelay $0x1  }
0x6a: {  	vm0 =	vlt.u32 v2, $0x8200;
	_ =	sdelay $0x2  }
0x6b: {  	v0 =	vld [tilespmem:s24+$0x18770]  }
0x6c: {  	v1 =	vnsel vm1, $0x0, v1  }
0x6d: {  	[tilespmem:s24+$0x19750] =	vst v1  }
.Ltmp0:
0x6e: {  	v1 =	vld.idx.msk [tilespmem:v2+s6+$0x0], vm0;
	(pc) =	sbr.rel @p0 .LBB2_3-.Ltmp0, $3  }
0x6f: {  	_ = 	snop  }
0x70: {  	vm1 =	vlt.u32 v0, $0x8200;
	_ =	sdelay $0x1  }
0x71: {  	s28 =	sshra.s32 s25, $0x2;
	s25 =	sadd.s32 $0x200, s25  }
0x72: {  	_ = 	snop  }
0x73: {  	v2 =	vld [tilespmem:s28+$0x18700];
	_ =	sdelay $0x1  }
0x74: {  	v1 =	vnsel vm0, $0x0, v1  }
0x75: {  	[tilespmem:s24+$0x19760] =	vst v1  }
0x76: {  	v0 =	vld.idx.msk [tilespmem:v0+s6+$0x0], vm1  }
0x77: {  	vm0 =	vlt.u32 v2, $0x8200;
	_ =	sdelay $0x1  }
0x78: {  	v1 =	vld [tilespmem:s28+$0x18710];
	_ =	sdelay $0x1  }
0x79: {  	v0 =	vnsel vm1, $0x0, v0  }
0x7a: {  	[tilespmem:s24+$0x19770] =	vst v0  }
0x7b: {  	v0 =	vld.idx.msk [tilespmem:v2+s6+$0x0], vm0  }
0x7c: {  	vm1 =	vlt.u32 v1, $0x8200;
	_ =	sdelay $0x1  }
0x7d: {  	v2 =	vld [tilespmem:s28+$0x18720];
	_ =	sdelay $0x1  }
0x7e: {  	v0 =	vnsel vm0, $0x0, v0  }
0x7f: {  	[tilespmem:s28+$0x19700] =	vst v0  }
0x80: {  	v0 =	vld.idx.msk [tilespmem:v1+s6+$0x0], vm1  }
0x81: {  	vm0 =	vlt.u32 v2, $0x8200;
	_ =	sdelay $0x1  }
0x82: {  	v1 =	vld [tilespmem:s28+$0x18730];
	_ =	sdelay $0x1  }
0x83: {  	v0 =	vnsel vm1, $0x0, v0  }
0x84: {  	[tilespmem:s28+$0x19710] =	vst v0  }
0x85: {  	v0 =	vld.idx.msk [tilespmem:v2+s6+$0x0], vm0  }
0x86: {  	vm1 =	vlt.u32 v1, $0x8200;
	_ =	sdelay $0x1  }
0x87: {  	v2 =	vld [tilespmem:s28+$0x18740];
	_ =	sdelay $0x1  }
0x88: {  	v0 =	vnsel vm0, $0x0, v0  }
0x89: {  	[tilespmem:s28+$0x19720] =	vst v0  }
0x8a: {  	v0 =	vld.idx.msk [tilespmem:v1+s6+$0x0], vm1  }
0x8b: {  	vm0 =	vlt.u32 v2, $0x8200;
	_ =	sdelay $0x1  }
0x8c: {  	v1 =	vld [tilespmem:s28+$0x18750];
	_ =	sdelay $0x1  }
0x8d: {  	v0 =	vnsel vm1, $0x0, v0  }
0x8e: {  	[tilespmem:s28+$0x19730] =	vst v0  }
0x8f: {  	v0 =	vld.idx.msk [tilespmem:v2+s6+$0x0], vm0  }
0x90: {  	vm1 =	vlt.u32 v1, $0x8200;
	_ =	sdelay $0x1  }
0x91: {  	v2 =	vld [tilespmem:s28+$0x18760];
	_ =	sdelay $0x1  }
0x92: {  	v0 =	vnsel vm0, $0x0, v0  }
0x93: {  	[tilespmem:s28+$0x19740] =	vst v0  }
0x94: {  	v0 =	vld.idx.msk [tilespmem:v1+s6+$0x0], vm1  }
0x95: {  	vm0 =	vlt.u32 v2, $0x8200;
	_ =	sdelay $0x1  }
0x96: {  	v1 =	vld [tilespmem:s28+$0x18770];
	_ =	sdelay $0x1  }
0x97: {  	v0 =	vnsel vm1, $0x0, v0  }
0x98: {  	[tilespmem:s28+$0x19750] =	vst v0  }
0x99: {  	v0 =	vld.idx.msk [tilespmem:v2+s6+$0x0], vm0  }
0x9a: {  	vm1 =	vlt.u32 v1, $0x8200;
	_ =	sdelay $0x1  }
0x9b: {  	p0 =	seq.s32 s21, $0x19  }
0x9c: {  	s26 =	sadd.s32 @!p0 $0x1, s23  }
0x9d: {  	s25 =	sshrl.u32 @!p0 s26, $0x3;
	v0 =	vnsel vm0, $0x0, v0  }
0x9e: {  	s25 =	sand.u32 @!p0 $0x3, s25;
	[tilespmem:s28+$0x19760] =	vst v0  }
0x9f: {  	s25 =	smul.u32 @!p0 $0xC3800, s25;
	s24 =	sshrl.u32 @!p0 s26, $0x5;
	v0 =	vld.idx.msk [tilespmem:v1+s6+$0x0], vm1  }
0xa0: {  	s24 =	smul.u32 @!p0 $0x30E000, s24  }
0xa1: {  	s26 =	sshll.u32 @!p0 s26, $0x7  }
0xa2: {  	s26 =	sand.u32 @!p0 $0x380, s26;
	s29 =	sadd.s32 @!p0 s24, s25  }
0xa3: {  	s29 =	sor.u32 @!p0 s26, s29  }
0xa4: {  	s30 =	simm.s32 @!p0 $0x400;
	s29 =	sshrl.u32 @!p0 s29, $0x3;
	v0 =	vnsel vm1, $0x0, v0  }
0xa5: {  	s31 =	simm.s32 @!p0 $0x0;
	s29 =	sadd.s32 @!p0 s4, s29;
	[tilespmem:s28+$0x19770] =	vst v0;
	s28 =	simm.s32 @!p0 $0x80  }
0xa6: {  	[tilespmem:s31], [sflag:$0x1] =	stream.strided.gather @!p0 [hbm4b:s29+s28], $0x8200, s30, s28, $0x38;
	[tilespmem:$0x1A700] =	vst v63  }
0xa7: {  	_ =	swait.ge [sflag:s16], $0x8200  }
0xa8: {  	[sflag:s16] =	ssyncset.done $0x0  }
0xa9: {  	s28 =	simm.s32 $0x0;
	[sflag:s16] =	ssyncadd.s32 $0xFFFF7E00  }
0xaa: {  	v0 =	vld [tilespmem:s28+$0x18700];
	_ =	sdelay $0x4  }
0xab: {  	v0 =	vadd.s32 $0xFFFF7E00, v0  }
0xac: {  	vm0 =	vlt.u32 v0, $0x8200  }
0xad: {  	v1 =	vld [tilespmem:s28+$0x18710];
	_ =	sdelay $0x3  }
0xae: {  	v2 =	vld [tilespmem:s28+$0x19700]  }
0xaf: {  	v1 =	vadd.s32 $0xFFFF7E00, v1;
	v0 =	vld.idx.msk [tilespmem:v0+s13+$0x0], vm0  }
0xb0: {  	vm1 =	vlt.u32 v1, $0x8200;
	_ =	sdelay $0x1  }
0xb1: {  	v3 =	vld [tilespmem:s28+$0x18720];
	_ =	sdelay $0x1  }
0xb2: {  	v0 =	vsel vm0, v0, v2  }
0xb3: {  	[tilespmem:s28+$0x19700] =	vst v0  }
0xb4: {  	v0 =	vld.idx.msk [tilespmem:v1+s13+$0x0], vm1  }
0xb5: {  	v2 =	vadd.s32 $0xFFFF7E00, v3;
	v1 =	vld [tilespmem:s28+$0x19710]  }
0xb6: {  	vm0 =	vlt.u32 v2, $0x8200  }
0xb7: {  	v3 =	vld [tilespmem:s28+$0x18730];
	_ =	sdelay $0x2  }
0xb8: {  	v0 =	vsel vm1, v0, v1  }
0xb9: {  	v1 =	vld [tilespmem:s28+$0x19720];
	[tilespmem:s28+$0x19710] =	vst v0  }
0xba: {  	v0 =	vld.idx.msk [tilespmem:v2+s13+$0x0], vm0;
	v2 =	vadd.s32 $0xFFFF7E00, v3  }
0xbb: {  	vm1 =	vlt.u32 v2, $0x8200  }
0xbc: {  	v3 =	vld [tilespmem:s28+$0x18740];
	_ =	sdelay $0x2  }
0xbd: {  	v0 =	vsel vm0, v0, v1  }
0xbe: {  	v1 =	vld [tilespmem:s28+$0x19730];
	[tilespmem:s28+$0x19720] =	vst v0  }
0xbf: {  	v0 =	vld.idx.msk [tilespmem:v2+s13+$0x0], vm1;
	v2 =	vadd.s32 $0xFFFF7E00, v3  }
0xc0: {  	vm0 =	vlt.u32 v2, $0x8200  }
0xc1: {  	v3 =	vld [tilespmem:s28+$0x18750];
	_ =	sdelay $0x2  }
0xc2: {  	v0 =	vsel vm1, v0, v1  }
0xc3: {  	v1 =	vld [tilespmem:s28+$0x19740];
	[tilespmem:s28+$0x19730] =	vst v0  }
0xc4: {  	v0 =	vld.idx.msk [tilespmem:v2+s13+$0x0], vm0;
	v2 =	vadd.s32 $0xFFFF7E00, v3  }
0xc5: {  	vm1 =	vlt.u32 v2, $0x8200  }
0xc6: {  	v3 =	vld [tilespmem:s28+$0x18760];
	_ =	sdelay $0x2  }
0xc7: {  	v0 =	vsel vm0, v0, v1  }
0xc8: {  	v1 =	vld [tilespmem:s28+$0x19750];
	[tilespmem:s28+$0x19740] =	vst v0  }
0xc9: {  	v0 =	vld.idx.msk [tilespmem:v2+s13+$0x0], vm1;
	v2 =	vadd.s32 $0xFFFF7E00, v3  }
0xca: {  	vm0 =	vlt.u32 v2, $0x8200;
	_ =	sdelay $0x1  }
0xcb: {  	v3 =	vld [tilespmem:s28+$0x18770];
	_ =	sdelay $0x1  }
0xcc: {  	v0 =	vsel vm1, v0, v1  }
0xcd: {  	[tilespmem:s28+$0x19750] =	vst v0  }
0xce: {  	v1 =	vld.idx.msk [tilespmem:v2+s13+$0x0], vm0  }
0xcf: {  	v0 =	vadd.s32 $0xFFFF7E00, v3;
	v2 =	vld [tilespmem:s28+$0x19760]  }
0xd0: {  	vm1 =	vlt.u32 v0, $0x8200  }
0xd1: {  	s30 =	simm.s32 $0x80;
	s29 =	simm.s32 $0x400  }
.LBB2_5:
0xd2: {  	p1 =	sne.s32 s29, $0x3E00;
	v3 =	vld [tilespmem:s30+$0x18700];
	_ =	sdelay $0x1  }
0xd3: {  	v1 =	vsel vm0, v1, v2  }
0xd4: {  	[tilespmem:s28+$0x19760] =	vst v1  }
0xd5: {  	v0 =	vld.idx.msk [tilespmem:v0+s13+$0x0], vm1  }
0xd6: {  	v1 =	vadd.s32 $0xFFFF7E00, v3;
	v2 =	vld [tilespmem:s28+$0x19770]  }
0xd7: {  	vm0 =	vlt.u32 v1, $0x8200;
	_ =	sdelay $0x1  }
0xd8: {  	v3 =	vld [tilespmem:s30+$0x18710];
	_ =	sdelay $0x1  }
0xd9: {  	v0 =	vsel vm1, v0, v2  }
0xda: {  	[tilespmem:s28+$0x19770] =	vst v0;
	s28 =	smov.u32 s30  }
0xdb: {  	v0 =	vld.idx.msk [tilespmem:v1+s13+$0x0], vm0  }
0xdc: {  	v1 =	vld [tilespmem:s28+$0x19700];
	v2 =	vadd.s32 $0xFFFF7E00, v3  }
0xdd: {  	vm1 =	vlt.u32 v2, $0x8200;
	_ =	sdelay $0x1  }
0xde: {  	v3 =	vld [tilespmem:s28+$0x18720];
	_ =	sdelay $0x1  }
0xdf: {  	v0 =	vsel vm0, v0, v1  }
0xe0: {  	[tilespmem:s28+$0x19700] =	vst v0  }
0xe1: {  	v0 =	vld.idx.msk [tilespmem:v2+s13+$0x0], vm1  }
0xe2: {  	v1 =	vld [tilespmem:s28+$0x19710];
	v2 =	vadd.s32 $0xFFFF7E00, v3  }
0xe3: {  	vm0 =	vlt.u32 v2, $0x8200;
	_ =	sdelay $0x1  }
0xe4: {  	v3 =	vld [tilespmem:s28+$0x18730];
	_ =	sdelay $0x1  }
0xe5: {  	v0 =	vsel vm1, v0, v1  }
0xe6: {  	[tilespmem:s28+$0x19710] =	vst v0  }
0xe7: {  	v0 =	vld.idx.msk [tilespmem:v2+s13+$0x0], vm0  }
0xe8: {  	v1 =	vld [tilespmem:s28+$0x19720];
	v2 =	vadd.s32 $0xFFFF7E00, v3  }
0xe9: {  	vm1 =	vlt.u32 v2, $0x8200;
	_ =	sdelay $0x1  }
0xea: {  	v3 =	vld [tilespmem:s28+$0x18740];
	_ =	sdelay $0x1  }
0xeb: {  	v0 =	vsel vm0, v0, v1  }
0xec: {  	[tilespmem:s28+$0x19720] =	vst v0  }
0xed: {  	v0 =	vld.idx.msk [tilespmem:v2+s13+$0x0], vm1  }
0xee: {  	v1 =	vld [tilespmem:s28+$0x19730];
	v2 =	vadd.s32 $0xFFFF7E00, v3  }
0xef: {  	vm0 =	vlt.u32 v2, $0x8200;
	_ =	sdelay $0x1  }
0xf0: {  	v3 =	vld [tilespmem:s28+$0x18750];
	_ =	sdelay $0x1  }
0xf1: {  	v0 =	vsel vm1, v0, v1  }
0xf2: {  	[tilespmem:s28+$0x19730] =	vst v0  }
0xf3: {  	v0 =	vld.idx.msk [tilespmem:v2+s13+$0x0], vm0  }
0xf4: {  	v1 =	vld [tilespmem:s28+$0x19740];
	v2 =	vadd.s32 $0xFFFF7E00, v3  }
0xf5: {  	vm1 =	vlt.u32 v2, $0x8200;
	_ =	sdelay $0x1  }
0xf6: {  	v3 =	vld [tilespmem:s28+$0x18760];
	_ =	sdelay $0x1  }
0xf7: {  	v0 =	vsel vm0, v0, v1  }
0xf8: {  	[tilespmem:s28+$0x19740] =	vst v0  }
0xf9: {  	v0 =	vld.idx.msk [tilespmem:v2+s13+$0x0], vm1  }
0xfa: {  	v1 =	vld [tilespmem:s28+$0x19750];
	v2 =	vadd.s32 $0xFFFF7E00, v3  }
0xfb: {  	vm0 =	vlt.u32 v2, $0x8200;
	_ =	sdelay $0x1  }
0xfc: {  	v3 =	vld [tilespmem:s28+$0x18770];
	_ =	sdelay $0x1  }
0xfd: {  	v0 =	vsel vm1, v0, v1  }
.Ltmp1:
0xfe: {  	[tilespmem:s28+$0x19750] =	vst v0;
	(pc) =	sbr.rel @p1 .LBB2_5-.Ltmp1, $4  }
0xff: {  	v1 =	vld.idx.msk [tilespmem:v2+s13+$0x0], vm0  }
0x100: {  	v2 =	vld [tilespmem:s28+$0x19760];
	v0 =	vadd.s32 $0xFFFF7E00, v3  }
0x101: {  	vm1 =	vlt.u32 v0, $0x8200  }
0x102: {  	s30 =	sshra.s32 s29, $0x2;
	s29 =	sadd.s32 $0x200, s29  }
0x103: {  	v3 =	vld [tilespmem:s30+$0x18700];
	_ =	sdelay $0x2  }
0x104: {  	v1 =	vsel vm0, v1, v2  }
0x105: {  	v2 =	vld [tilespmem:s28+$0x19770];
	[tilespmem:s28+$0x19760] =	vst v1  }
0x106: {  	v0 =	vld.idx.msk [tilespmem:v0+s13+$0x0], vm1;
	v1 =	vadd.s32 $0xFFFF7E00, v3  }
0x107: {  	vm0 =	vlt.u32 v1, $0x8200;
	_ =	sdelay $0x1  }
0x108: {  	v3 =	vld [tilespmem:s30+$0x18710];
	_ =	sdelay $0x1  }
0x109: {  	v0 =	vsel vm1, v0, v2  }
0x10a: {  	[tilespmem:s28+$0x19770] =	vst v0  }
0x10b: {  	v0 =	vld.idx.msk [tilespmem:v1+s13+$0x0], vm0  }
0x10c: {  	v2 =	vadd.s32 $0xFFFF7E00, v3;
	v1 =	vld [tilespmem:s30+$0x19700]  }
0x10d: {  	vm1 =	vlt.u32 v2, $0x8200  }
0x10e: {  	v3 =	vld [tilespmem:s30+$0x18720];
	_ =	sdelay $0x2  }
0x10f: {  	v0 =	vsel vm0, v0, v1  }
0x110: {  	v1 =	vld [tilespmem:s30+$0x19710];
	[tilespmem:s30+$0x19700] =	vst v0  }
0x111: {  	v0 =	vld.idx.msk [tilespmem:v2+s13+$0x0], vm1;
	v2 =	vadd.s32 $0xFFFF7E00, v3  }
0x112: {  	vm0 =	vlt.u32 v2, $0x8200  }
0x113: {  	v3 =	vld [tilespmem:s30+$0x18730];
	_ =	sdelay $0x2  }
0x114: {  	v0 =	vsel vm1, v0, v1  }
0x115: {  	v1 =	vld [tilespmem:s30+$0x19720];
	[tilespmem:s30+$0x19710] =	vst v0  }
0x116: {  	v0 =	vld.idx.msk [tilespmem:v2+s13+$0x0], vm0;
	v2 =	vadd.s32 $0xFFFF7E00, v3  }
0x117: {  	vm1 =	vlt.u32 v2, $0x8200  }
0x118: {  	v3 =	vld [tilespmem:s30+$0x18740];
	_ =	sdelay $0x2  }
0x119: {  	v0 =	vsel vm0, v0, v1  }
0x11a: {  	v1 =	vld [tilespmem:s30+$0x19730];
	[tilespmem:s30+$0x19720] =	vst v0  }
0x11b: {  	v0 =	vld.idx.msk [tilespmem:v2+s13+$0x0], vm1;
	v2 =	vadd.s32 $0xFFFF7E00, v3  }
0x11c: {  	vm0 =	vlt.u32 v2, $0x8200  }
0x11d: {  	v3 =	vld [tilespmem:s30+$0x18750];
	_ =	sdelay $0x2  }
0x11e: {  	v0 =	vsel vm1, v0, v1  }
0x11f: {  	v1 =	vld [tilespmem:s30+$0x19740];
	[tilespmem:s30+$0x19730] =	vst v0  }
0x120: {  	v0 =	vld.idx.msk [tilespmem:v2+s13+$0x0], vm0;
	v2 =	vadd.s32 $0xFFFF7E00, v3  }
0x121: {  	vm1 =	vlt.u32 v2, $0x8200  }
0x122: {  	v3 =	vld [tilespmem:s30+$0x18760];
	_ =	sdelay $0x2  }
0x123: {  	v0 =	vsel vm0, v0, v1  }
0x124: {  	v1 =	vld [tilespmem:s30+$0x19750];
	[tilespmem:s30+$0x19740] =	vst v0  }
0x125: {  	v0 =	vld.idx.msk [tilespmem:v2+s13+$0x0], vm1;
	v2 =	vadd.s32 $0xFFFF7E00, v3  }
0x126: {  	vm0 =	vlt.u32 v2, $0x8200  }
0x127: {  	v3 =	vld [tilespmem:s30+$0x18770];
	_ =	sdelay $0x2  }
0x128: {  	v0 =	vsel vm1, v0, v1  }
0x129: {  	v1 =	vld [tilespmem:s30+$0x19760];
	[tilespmem:s30+$0x19750] =	vst v0  }
0x12a: {  	v0 =	vld.idx.msk [tilespmem:v2+s13+$0x0], vm0;
	v2 =	vadd.s32 $0xFFFF7E00, v3  }
0x12b: {  	vm1 =	vlt.u32 v2, $0x8200;
	_ =	sdelay $0x3  }
0x12c: {  	v0 =	vsel vm0, v0, v1  }
0x12d: {  	v1 =	vld [tilespmem:s30+$0x19770];
	[tilespmem:s30+$0x19760] =	vst v0  }
0x12e: {  	v0 =	vld.idx.msk [tilespmem:v2+s13+$0x0], vm1;
	_ =	sdelay $0x1  }
0x12f: {  	s24 =	sor.u32 @!p0 s26, s24  }
0x130: {  	s24 =	sadd.s32 @!p0 s25, s24  }
0x131: {  	s25 =	sadd.s32 @!p0 $0x41000, s24  }
0x132: {  	s26 =	simm.s32 @!p0 $0x80;
	s25 =	sshrl.u32 @!p0 s25, $0x3;
	v0 =	vsel vm1, v0, v1  }
0x133: {  	s29 =	simm.s32 @!p0 $0x8200;
	s25 =	sadd.s32 @!p0 s4, s25;
	s28 =	simm.s32 @!p0 $0x400;
	[tilespmem:s30+$0x19770] =	vst v0  }
0x134: {  	[tilespmem:s29], [sflag:$0x2] =	stream.strided.gather @!p0 [hbm4b:s25+s26], $0x8200, s28, s26, $0x38;
	[tilespmem:$0x1A700] =	vst v63  }
0x135: {  	_ =	swait.ge [sflag:s17], $0x8300  }
0x136: {  	[sflag:s17] =	ssyncset.done $0x0  }
0x137: {  	s25 =	simm.s32 $0x0;
	[sflag:s17] =	ssyncadd.s32 $0xFFFF7D00  }
0x138: {  	v0 =	vld [tilespmem:s25+$0x18700];
	_ =	sdelay $0x4  }
0x139: {  	v0 =	vadd.s32 $0xFFFEFC00, v0  }
0x13a: {  	vm0 =	vlt.u32 v0, $0x82A0  }
0x13b: {  	v1 =	vld [tilespmem:s25+$0x18710];
	_ =	sdelay $0x3  }
0x13c: {  	v2 =	vld [tilespmem:s25+$0x19700]  }
0x13d: {  	v1 =	vadd.s32 $0xFFFEFC00, v1;
	v0 =	vld.idx.msk [tilespmem:v0+s14+$0x0], vm0  }
0x13e: {  	vm1 =	vlt.u32 v1, $0x82A0;
	_ =	sdelay $0x1  }
0x13f: {  	v3 =	vld [tilespmem:s25+$0x18720];
	_ =	sdelay $0x1  }
0x140: {  	v0 =	vsel vm0, v0, v2  }
0x141: {  	[tilespmem:s25+$0x19700] =	vst v0  }
0x142: {  	v0 =	vld.idx.msk [tilespmem:v1+s14+$0x0], vm1  }
0x143: {  	v2 =	vadd.s32 $0xFFFEFC00, v3;
	v1 =	vld [tilespmem:s25+$0x19710]  }
0x144: {  	vm0 =	vlt.u32 v2, $0x82A0  }
0x145: {  	v3 =	vld [tilespmem:s25+$0x18730];
	_ =	sdelay $0x2  }
0x146: {  	v0 =	vsel vm1, v0, v1  }
0x147: {  	v1 =	vld [tilespmem:s25+$0x19720];
	[tilespmem:s25+$0x19710] =	vst v0  }
0x148: {  	v0 =	vld.idx.msk [tilespmem:v2+s14+$0x0], vm0;
	v2 =	vadd.s32 $0xFFFEFC00, v3  }
0x149: {  	vm1 =	vlt.u32 v2, $0x82A0  }
0x14a: {  	v3 =	vld [tilespmem:s25+$0x18740];
	_ =	sdelay $0x2  }
0x14b: {  	v0 =	vsel vm0, v0, v1  }
0x14c: {  	v1 =	vld [tilespmem:s25+$0x19730];
	[tilespmem:s25+$0x19720] =	vst v0  }
0x14d: {  	v0 =	vld.idx.msk [tilespmem:v2+s14+$0x0], vm1;
	v2 =	vadd.s32 $0xFFFEFC00, v3  }
0x14e: {  	vm0 =	vlt.u32 v2, $0x82A0  }
0x14f: {  	v3 =	vld [tilespmem:s25+$0x18750];
	_ =	sdelay $0x2  }
0x150: {  	v0 =	vsel vm1, v0, v1  }
0x151: {  	v1 =	vld [tilespmem:s25+$0x19740];
	[tilespmem:s25+$0x19730] =	vst v0  }
0x152: {  	v0 =	vld.idx.msk [tilespmem:v2+s14+$0x0], vm0;
	v2 =	vadd.s32 $0xFFFEFC00, v3  }
0x153: {  	vm1 =	vlt.u32 v2, $0x82A0  }
0x154: {  	v3 =	vld [tilespmem:s25+$0x18760];
	_ =	sdelay $0x2  }
0x155: {  	v0 =	vsel vm0, v0, v1  }
0x156: {  	v1 =	vld [tilespmem:s25+$0x19750];
	[tilespmem:s25+$0x19740] =	vst v0  }
0x157: {  	v0 =	vld.idx.msk [tilespmem:v2+s14+$0x0], vm1;
	v2 =	vadd.s32 $0xFFFEFC00, v3  }
0x158: {  	vm0 =	vlt.u32 v2, $0x82A0;
	_ =	sdelay $0x1  }
0x159: {  	v3 =	vld [tilespmem:s25+$0x18770];
	_ =	sdelay $0x1  }
0x15a: {  	v0 =	vsel vm1, v0, v1  }
0x15b: {  	[tilespmem:s25+$0x19750] =	vst v0  }
0x15c: {  	v1 =	vld.idx.msk [tilespmem:v2+s14+$0x0], vm0  }
0x15d: {  	v0 =	vadd.s32 $0xFFFEFC00, v3;
	v2 =	vld [tilespmem:s25+$0x19760]  }
0x15e: {  	vm1 =	vlt.u32 v0, $0x82A0  }
0x15f: {  	s28 =	simm.s32 $0x80;
	s26 =	simm.s32 $0x400  }
.LBB2_7:
0x160: {  	p1 =	sne.s32 s26, $0x3E00;
	v3 =	vld [tilespmem:s28+$0x18700];
	_ =	sdelay $0x1  }
0x161: {  	v1 =	vsel vm0, v1, v2  }
0x162: {  	[tilespmem:s25+$0x19760] =	vst v1  }
0x163: {  	v0 =	vld.idx.msk [tilespmem:v0+s14+$0x0], vm1  }
0x164: {  	v1 =	vadd.s32 $0xFFFEFC00, v3;
	v2 =	vld [tilespmem:s25+$0x19770]  }
0x165: {  	vm0 =	vlt.u32 v1, $0x82A0;
	_ =	sdelay $0x1  }
0x166: {  	v3 =	vld [tilespmem:s28+$0x18710];
	_ =	sdelay $0x1  }
0x167: {  	v0 =	vsel vm1, v0, v2  }
0x168: {  	[tilespmem:s25+$0x19770] =	vst v0;
	s25 =	smov.u32 s28  }
0x169: {  	v0 =	vld.idx.msk [tilespmem:v1+s14+$0x0], vm0  }
0x16a: {  	v1 =	vld [tilespmem:s25+$0x19700];
	v2 =	vadd.s32 $0xFFFEFC00, v3  }
0x16b: {  	vm1 =	vlt.u32 v2, $0x82A0;
	_ =	sdelay $0x1  }
0x16c: {  	v3 =	vld [tilespmem:s25+$0x18720];
	_ =	sdelay $0x1  }
0x16d: {  	v0 =	vsel vm0, v0, v1  }
0x16e: {  	[tilespmem:s25+$0x19700] =	vst v0  }
0x16f: {  	v0 =	vld.idx.msk [tilespmem:v2+s14+$0x0], vm1  }
0x170: {  	v1 =	vld [tilespmem:s25+$0x19710];
	v2 =	vadd.s32 $0xFFFEFC00, v3  }
0x171: {  	vm0 =	vlt.u32 v2, $0x82A0;
	_ =	sdelay $0x1  }
0x172: {  	v3 =	vld [tilespmem:s25+$0x18730];
	_ =	sdelay $0x1  }
0x173: {  	v0 =	vsel vm1, v0, v1  }
0x174: {  	[tilespmem:s25+$0x19710] =	vst v0  }
0x175: {  	v0 =	vld.idx.msk [tilespmem:v2+s14+$0x0], vm0  }
0x176: {  	v1 =	vld [tilespmem:s25+$0x19720];
	v2 =	vadd.s32 $0xFFFEFC00, v3  }
0x177: {  	vm1 =	vlt.u32 v2, $0x82A0;
	_ =	sdelay $0x1  }
0x178: {  	v3 =	vld [tilespmem:s25+$0x18740];
	_ =	sdelay $0x1  }
0x179: {  	v0 =	vsel vm0, v0, v1  }
0x17a: {  	[tilespmem:s25+$0x19720] =	vst v0  }
0x17b: {  	v0 =	vld.idx.msk [tilespmem:v2+s14+$0x0], vm1  }
0x17c: {  	v1 =	vld [tilespmem:s25+$0x19730];
	v2 =	vadd.s32 $0xFFFEFC00, v3  }
0x17d: {  	vm0 =	vlt.u32 v2, $0x82A0;
	_ =	sdelay $0x1  }
0x17e: {  	v3 =	vld [tilespmem:s25+$0x18750];
	_ =	sdelay $0x1  }
0x17f: {  	v0 =	vsel vm1, v0, v1  }
0x180: {  	[tilespmem:s25+$0x19730] =	vst v0  }
0x181: {  	v0 =	vld.idx.msk [tilespmem:v2+s14+$0x0], vm0  }
0x182: {  	v1 =	vld [tilespmem:s25+$0x19740];
	v2 =	vadd.s32 $0xFFFEFC00, v3  }
0x183: {  	vm1 =	vlt.u32 v2, $0x82A0;
	_ =	sdelay $0x1  }
0x184: {  	v3 =	vld [tilespmem:s25+$0x18760];
	_ =	sdelay $0x1  }
0x185: {  	v0 =	vsel vm0, v0, v1  }
0x186: {  	[tilespmem:s25+$0x19740] =	vst v0  }
0x187: {  	v0 =	vld.idx.msk [tilespmem:v2+s14+$0x0], vm1  }
0x188: {  	v1 =	vld [tilespmem:s25+$0x19750];
	v2 =	vadd.s32 $0xFFFEFC00, v3  }
0x189: {  	vm0 =	vlt.u32 v2, $0x82A0;
	_ =	sdelay $0x1  }
0x18a: {  	v3 =	vld [tilespmem:s25+$0x18770];
	_ =	sdelay $0x1  }
0x18b: {  	v0 =	vsel vm1, v0, v1  }
.Ltmp2:
0x18c: {  	[tilespmem:s25+$0x19750] =	vst v0;
	(pc) =	sbr.rel @p1 .LBB2_7-.Ltmp2, $4  }
0x18d: {  	v1 =	vld.idx.msk [tilespmem:v2+s14+$0x0], vm0  }
0x18e: {  	v2 =	vld [tilespmem:s25+$0x19760];
	v0 =	vadd.s32 $0xFFFEFC00, v3  }
0x18f: {  	vm1 =	vlt.u32 v0, $0x82A0  }
0x190: {  	s28 =	sshra.s32 s26, $0x2;
	s26 =	sadd.s32 $0x200, s26  }
0x191: {  	_ = 	snop  }
0x192: {  	v3 =	vld [tilespmem:s28+$0x18700];
	_ =	sdelay $0x1  }
0x193: {  	v1 =	vsel vm0, v1, v2  }
0x194: {  	v41 =	vld [tilespmem:s25+$0x19770];
	[tilespmem:s25+$0x19760] =	vst v1  }
0x195: {  	v0 =	vld.idx.msk [tilespmem:v0+s14+$0x0], vm1  }
0x196: {  	v40 =	vadd.s32 $0xFFFEFC00, v3  }
0x197: {  	vm8 =	vlt.u32 v40, $0x82A0  }
0x198: {  	v42 =	vld [tilespmem:s28+$0x18710];
	_ =	sdelay $0x1  }
0x199: {  	v0 =	vsel vm1, v0, v41  }
0x19a: {  	[tilespmem:s25+$0x19770] =	vst v0  }
0x19b: {  	v43 =	vld [tilespmem:s28+$0x19700]  }
0x19c: {  	v44 =	vadd.s32 $0xFFFEFC00, v42;
	v0 =	vld.idx.msk [tilespmem:v40+s14+$0x0], vm8  }
0x19d: {  	vm9 =	vlt.u32 v44, $0x82A0  }
0x19e: {  	v45 =	vld [tilespmem:s28+$0x18720];
	_ =	sdelay $0x2  }
0x19f: {  	v0 =	vsel vm8, v0, v43  }
0x1a0: {  	v46 =	vld [tilespmem:s28+$0x19710];
	[tilespmem:s28+$0x19700] =	vst v0  }
0x1a1: {  	v47 =	vadd.s32 $0xFFFEFC00, v45;
	v0 =	vld.idx.msk [tilespmem:v44+s14+$0x0], vm9  }
0x1a2: {  	vm10 =	vlt.u32 v47, $0x82A0  }
0x1a3: {  	v48 =	vld [tilespmem:s28+$0x18730];
	_ =	sdelay $0x2  }
0x1a4: {  	v0 =	vsel vm9, v0, v46  }
0x1a5: {  	v49 =	vld [tilespmem:s28+$0x19720];
	[tilespmem:s28+$0x19710] =	vst v0  }
0x1a6: {  	v50 =	vadd.s32 $0xFFFEFC00, v48;
	v0 =	vld.idx.msk [tilespmem:v47+s14+$0x0], vm10  }
0x1a7: {  	vm11 =	vlt.u32 v50, $0x82A0  }
0x1a8: {  	v51 =	vld [tilespmem:s28+$0x18740];
	_ =	sdelay $0x2  }
0x1a9: {  	v0 =	vsel vm10, v0, v49  }
0x1aa: {  	v52 =	vld [tilespmem:s28+$0x19730];
	[tilespmem:s28+$0x19720] =	vst v0  }
0x1ab: {  	v53 =	vadd.s32 $0xFFFEFC00, v51;
	v0 =	vld.idx.msk [tilespmem:v50+s14+$0x0], vm11  }
0x1ac: {  	vm12 =	vlt.u32 v53, $0x82A0  }
0x1ad: {  	v54 =	vld [tilespmem:s28+$0x18750];
	_ =	sdelay $0x2  }
0x1ae: {  	v0 =	vsel vm11, v0, v52  }
0x1af: {  	v55 =	vld [tilespmem:s28+$0x19740];
	[tilespmem:s28+$0x19730] =	vst v0  }
0x1b0: {  	v56 =	vadd.s32 $0xFFFEFC00, v54;
	v0 =	vld.idx.msk [tilespmem:v53+s14+$0x0], vm12  }
0x1b1: {  	vm13 =	vlt.u32 v56, $0x82A0  }
0x1b2: {  	v57 =	vld [tilespmem:s28+$0x18760];
	_ =	sdelay $0x2  }
0x1b3: {  	v0 =	vsel vm12, v0, v55  }
0x1b4: {  	v58 =	vld [tilespmem:s28+$0x19750];
	[tilespmem:s28+$0x19740] =	vst v0  }
0x1b5: {  	v59 =	vadd.s32 $0xFFFEFC00, v57;
	v0 =	vld.idx.msk [tilespmem:v56+s14+$0x0], vm13  }
0x1b6: {  	vm14 =	vlt.u32 v59, $0x82A0  }
0x1b7: {  	v60 =	vld [tilespmem:s28+$0x18770];
	_ =	sdelay $0x2  }
0x1b8: {  	v0 =	vsel vm13, v0, v58  }
0x1b9: {  	v61 =	vld [tilespmem:s28+$0x19760];
	[tilespmem:s28+$0x19750] =	vst v0  }
0x1ba: {  	v62 =	vadd.s32 $0xFFFEFC00, v60;
	v0 =	vld.idx.msk [tilespmem:v59+s14+$0x0], vm14  }
0x1bb: {  	vm15 =	vlt.u32 v62, $0x82A0;
	_ =	sdelay $0x3  }
0x1bc: {  	v0 =	vsel vm14, v0, v61  }
0x1bd: {  	v63 =	vld [tilespmem:s28+$0x19770];
	[tilespmem:s28+$0x19760] =	vst v0  }
0x1be: {  	v0 =	vld.idx.msk [tilespmem:v62+s14+$0x0], vm15;
	_ =	sdelay $0x3  }
0x1bf: {  	s24 =	sadd.s32 @!p0 $0x82000, s24  }
0x1c0: {  	s26 =	simm.s32 @!p0 $0x400;
	s30 =	sshll.u32 s23, $0x4;
	s24 =	sshrl.u32 @!p0 s24, $0x3;
	v0 =	vsel vm15, v0, v63  }
0x1c1: {  	s24 =	sadd.s32 @!p0 s4, s24;
	s25 =	simm.s32 @!p0 $0x80;
	[tilespmem:s28+$0x19770] =	vst v0;
	s28 =	simm.s32 @!p0 $0x10400  }
0x1c2: {  	[tilespmem:s28], [sflag:$0x3] =	stream.strided.gather @!p0 [hbm4b:s24+s25], $0x8300, s26, s25, $0x38;
	[tilespmem:$0x1A700] =	vst v63  }
0x1c3: {  	s31 =	sshll.u32 s23, $0x9;
	s21 =	sadd.s32 $0x1, s21;
	s24 =	sand.u32 $0x70, s30  }
0x1c4: {  	s23 =	sand.u32 $0xFFFF000, s31;
	p0 =	sne.s32 s21, $0x1A;
	s24 =	sadd.s32 s5, s24  }
.Ltmp3:
0x1c5: {  	s23 =	sadd.s32 s23, s24;
	(pc) =	sbr.rel @p0 .LBB2_2-.Ltmp3, $4  }
0x1c6: {  	[hbm4b:s23+s11] =	stream.strided.scatter [tilespmem:s18], [sflag:$0x4], $0x1000, s12, s11, $0x38;
	[tilespmem:$0x1A700] =	vst v63  }
0x1c7: {  	_ =	swait.ge [sflag:s19], $0x1000  }
0x1c8: {  	[sflag:s19] =	ssyncset.done $0x0  }
0x1c9: {  	[sflag:s19] =	ssyncadd.s32 $0xFFFFF000  }
0x1ca: {  	s20 =	sadd.s32 $0x1, s20  }
0x1cb: {  	p0 =	sne.s32 s20, s10  }
.Ltmp4:
0x1cc: {  	_ = 	snop;
	(pc) =	sbr.rel @p0 .LBB2_1-.Ltmp4, $1  }
0x1cd: {  	_ =	sdelay $0x3  }
0x1ce: {  	_ =	sfence.sel $0x180000  }
0x1cf: {  	[bflag:$0x0] =	sbarrier.arrive $0xFFFF  }
0x1d0: {  	p0 =	sne.s32 s0, $0x0;
	_ =	strace $0x90000047  }
0x1d1: {  	s0 =	sadd.s32 @!p0 $0x100000, s3;
	[bflag:$0x2] =	sbarrier.arrive $0xFFFF  }
0x1d2: {  	[sflag:s0] =	ssyncadd.tile.s32 @!p0 $0x1;
	_ =	shalt  }
.Lfunc_end2:
_tile_overlayer_lowered:
.L_overlay_start_2:
0x1d3: {  	(tag) =	ssettag $0x2  }
0x1d4: {  	s0 =	rddreg [dreg:$0x0];
	s2 =	stileid.u32  }
0x1d5: {  	s1 =	rddreg [dreg:$0x1];
	p0 =	sne.s32 s2, $0x0  }
0x1d6: {  	s3 =	rddreg [dreg:$0x2];
	[bflag:$0x3] =	sbarrier.arrive $0xFFFF;
	s2 =	simm.s32 @!p0 $0x1C04  }
0x1d7: {  	[timem:s3], [sflag:s2] =	dma.local @!p0 [hbm:s0], s1  }
0x1d8: {  	s0 =	simm.s32 @!p0 $0x4  }
0x1d9: {  	_ =	swait.ge @!p0 [sflag:s0], s1  }
0x1da: {  	s1 =	ssub.s32 @!p0 $0x0, s1;
	[sflag:s0] =	ssyncset.done @!p0 $0x0  }
0x1db: {  	[sflag:s0] =	ssyncadd.s32 @!p0 s1  }
0x1dc: {  	[bflag:$0x3] =	sbarrier.arrive $0xFFFF  }
0x1dd: {  	_ =	shalt  }

</sc_bundles>
